<compile_context>
chip_gen: v7x
topology: tpu7x:2x2x1
jax: 0.10.2.dev20260603
libtpu: 0.0.44.dev20260713+nightly
codegen_flags: <defaults>
</compile_context>

<pallas_src>
import functools

import jax
import jax.numpy as jnp
from jax import lax
from jax.experimental import pallas as pl
from jax.experimental.pallas import tpu as pltpu
from jax.experimental.pallas import tpu_sc as plsc

N = 10000
NP = 10112
DEG_W = 8
E = 320000
FEAT = 128
EMB = 64
HID = 128
OUT = 64

NC = 2
NS = 16
NW = NC * NS
EDGES_PER_W = E // NW
CHUNK = 125
CHUNKS_PER_W = EDGES_PER_W // CHUNK
IDXB = 16
ROWS_PER_SUB = NP // NS

_MESH = plsc.VectorSubcoreMesh(
    core_axis_name="c", subcore_axis_name="s", num_cores=NC, num_subcores=NS
)


def _sc_degree(dst2d, zeros_deg, ones_tile):

    @functools.partial(
        pl.kernel,
        out_type=jax.ShapeDtypeStruct((NC, NP, DEG_W), jnp.float32),
        mesh=_MESH,
        scratch_types=[
            pltpu.VMEM((IDXB, CHUNK), jnp.int32),
            pltpu.VMEM((CHUNK, DEG_W), jnp.float32),
            pltpu.VMEM_SHARED((NP, DEG_W), jnp.float32),
            pltpu.SemaphoreType.DMA,
            pltpu.SemaphoreType.DMA,
        ],
        compiler_params=pltpu.CompilerParams(use_tc_tiling_on_sc=False),
    )
    def deg_kernel(dst_hbm, zdeg_hbm, ones_hbm, deg_hbm,
                   dst_v, ones_v, sh_deg, sem_a, sem_b):
        cid = lax.axis_index("c")
        sid = lax.axis_index("s")
        g = cid * NS + sid

        pltpu.sync_copy(
            zdeg_hbm, sh_deg.at[pl.ds(sid * ROWS_PER_SUB, ROWS_PER_SUB)]
        )
        pltpu.sync_copy(ones_hbm, ones_v)
        plsc.subcore_barrier()

        @pl.loop(0, CHUNKS_PER_W // IDXB)
        def _(blk):
            pltpu.sync_copy(dst_hbm.at[g, pl.ds(blk * IDXB, IDXB)], dst_v)

            @pl.loop(0, IDXB, step=2)
            def _(c):
                d1 = pltpu.async_copy(
                    ones_v, sh_deg.at[dst_v.at[c]], sem_a, add=True
                )
                d2 = pltpu.async_copy(
                    ones_v, sh_deg.at[dst_v.at[c + 1]], sem_b, add=True
                )
                d1.wait()
                d2.wait()

        plsc.subcore_barrier()
        sl = pl.ds(sid * ROWS_PER_SUB, ROWS_PER_SUB)
        pltpu.sync_copy(sh_deg.at[sl], deg_hbm.at[cid, sl])

    return deg_kernel(dst2d, zeros_deg, ones_tile)


def _sc_segment_sum(p, src1d, dst1d, zeros_d, nbuf, chunk, idxb, tc_tiling):
    D = p.shape[1]
    chunks_per_w = EDGES_PER_W // chunk
    src2d = src1d.reshape(NW, chunks_per_w, chunk)
    dst2d = dst1d.reshape(NW, chunks_per_w, chunk)

    scratch = [
        pltpu.VMEM((idxb, chunk), jnp.int32),
        pltpu.VMEM((idxb, chunk), jnp.int32),
    ]
    scratch += [pltpu.VMEM((chunk, D), jnp.float32) for _ in range(nbuf)]
    scratch += [pltpu.VMEM_SHARED((NP, D), jnp.float32)]
    scratch += [pltpu.SemaphoreType.DMA for _ in range(nbuf)]

    @functools.partial(
        pl.kernel,
        out_type=jax.ShapeDtypeStruct((NC, NP, D), jnp.float32),
        mesh=_MESH,
        scratch_types=scratch,
        compiler_params=None if tc_tiling else pltpu.CompilerParams(
            use_tc_tiling_on_sc=False),
    )
    def seg_kernel(p_hbm, src_hbm, dst_hbm, z_hbm, agg_hbm,
                   src_v, dst_v, *rows_and_sems):
        rows = rows_and_sems[:nbuf]
        sh_agg = rows_and_sems[nbuf]
        sems = rows_and_sems[nbuf + 1:]
        cid = lax.axis_index("c")
        sid = lax.axis_index("s")
        g = cid * NS + sid

        pltpu.sync_copy(z_hbm, sh_agg.at[pl.ds(sid * ROWS_PER_SUB, ROWS_PER_SUB)])
        plsc.subcore_barrier()

        def prime(blk):
            pltpu.sync_copy(src_hbm.at[g, pl.ds(blk * idxb, idxb)], src_v)
            pltpu.sync_copy(dst_hbm.at[g, pl.ds(blk * idxb, idxb)], dst_v)
            for b in range(nbuf):
                pltpu.async_copy(p_hbm.at[src_v.at[b]], rows[b], sems[b])

        prime(0)

        @pl.loop(0, chunks_per_w // idxb)
        def _(blk):
            @pl.loop(0, idxb, step=nbuf)
            def _(c):
                for b in range(nbuf):
                    j = c + b
                    pltpu.make_async_copy(
                        p_hbm.at[src_v.at[j]], rows[b], sems[b]
                    ).wait()
                    pltpu.sync_copy(rows[b], sh_agg.at[dst_v.at[j]], add=True)

                    @pl.when(j < idxb - nbuf)
                    def _():
                        pltpu.async_copy(
                            p_hbm.at[src_v.at[j + nbuf]], rows[b], sems[b]
                        )

            @pl.when(blk < chunks_per_w // idxb - 1)
            def _():
                prime(blk + 1)

        plsc.subcore_barrier()

        sl = pl.ds(sid * ROWS_PER_SUB, ROWS_PER_SUB)
        pltpu.sync_copy(sh_agg.at[sl], agg_hbm.at[cid, sl])

    return seg_kernel(p, src2d, dst2d, zeros_d)


ROW_BLK = 2528
GRID = NP // ROW_BLK


def _matT(a, w):
    return lax.dot_general(a, w, (((1,), (1,)), ((), ())),
                           preferred_element_type=jnp.float32)


def _stage1(x, emb, W1_l, W1_r, b1):
    def body(x_ref, e_ref, wl_ref, wr_ref, b_ref, p1_ref, r1_ref):
        xv = x_ref[...]
        ev = e_ref[...]
        wl = wl_ref[...]
        wr = wr_ref[...]
        p1_ref[...] = _matT(xv, wl[:, :FEAT]) + _matT(ev, wl[:, FEAT:])
        r1_ref[...] = (_matT(xv, wr[:, :FEAT]) + _matT(ev, wr[:, FEAT:])
                       + b_ref[...])

    full = lambda s: pl.BlockSpec(s, lambda i: (0,) * len(s))
    return pl.pallas_call(
        body,
        grid=(GRID,),
        in_specs=[
            pl.BlockSpec((ROW_BLK, FEAT), lambda i: (i, 0)),
            pl.BlockSpec((ROW_BLK, EMB), lambda i: (i, 0)),
            full((HID, FEAT + EMB)), full((HID, FEAT + EMB)),
            full((1, HID)),
        ],
        out_specs=[
            pl.BlockSpec((ROW_BLK, HID), lambda i: (i, 0)),
            pl.BlockSpec((ROW_BLK, HID), lambda i: (i, 0)),
        ],
        out_shape=[
            jax.ShapeDtypeStruct((NP, HID), jnp.float32),
            jax.ShapeDtypeStruct((NP, HID), jnp.float32),
        ],
    )(x, emb, W1_l, W1_r, b1)


def _stage2(aggp, degp, r1, w2l, w2r, b2):
    def body(agg_ref, deg_ref, r1_ref, w2l_ref, w2r_ref, b_ref,
             p2_ref, r2_ref):
        aggs = agg_ref[...]
        degs = deg_ref[...]
        deg = degs[0, :, 0:1] + degs[1, :, 0:1]
        inv = 1.0 / jnp.maximum(deg, 1.0)
        h1 = jnp.maximum((aggs[0] + aggs[1]) * inv + r1_ref[...], 0.0)
        p2_ref[...] = _matT(h1, w2l_ref[...])
        r2_ref[...] = _matT(h1, w2r_ref[...]) + b_ref[...]

    full = lambda s: pl.BlockSpec(s, lambda i: (0,) * len(s))
    return pl.pallas_call(
        body,
        grid=(GRID,),
        in_specs=[
            pl.BlockSpec((NC, ROW_BLK, HID), lambda i: (0, i, 0)),
            pl.BlockSpec((NC, ROW_BLK, DEG_W), lambda i: (0, i, 0)),
            pl.BlockSpec((ROW_BLK, HID), lambda i: (i, 0)),
            full((OUT, HID)), full((OUT, HID)), full((1, OUT)),
        ],
        out_specs=[
            pl.BlockSpec((ROW_BLK, OUT), lambda i: (i, 0)),
            pl.BlockSpec((ROW_BLK, OUT), lambda i: (i, 0)),
        ],
        out_shape=[
            jax.ShapeDtypeStruct((NP, OUT), jnp.float32),
            jax.ShapeDtypeStruct((NP, OUT), jnp.float32),
        ],
    )(aggp, degp, r1, w2l, w2r, b2)


def _stage3(agg2p, degp, r2):
    def body(agg_ref, deg_ref, r2_ref, out_ref):
        aggs = agg_ref[...]
        degs = deg_ref[...]
        deg = degs[0, :, 0:1] + degs[1, :, 0:1]
        inv = 1.0 / jnp.maximum(deg, 1.0)
        out_ref[...] = (aggs[0] + aggs[1]) * inv + r2_ref[...]

    return pl.pallas_call(
        body,
        grid=(GRID,),
        in_specs=[
            pl.BlockSpec((NC, ROW_BLK, OUT), lambda i: (0, i, 0)),
            pl.BlockSpec((NC, ROW_BLK, DEG_W), lambda i: (0, i, 0)),
            pl.BlockSpec((ROW_BLK, OUT), lambda i: (i, 0)),
        ],
        out_specs=pl.BlockSpec((ROW_BLK, OUT), lambda i: (i, 0)),
        out_shape=jax.ShapeDtypeStruct((N, OUT), jnp.float32),
    )(agg2p, degp, r2)


@jax.jit
def kernel(x, edge_index, emb, W1_l, b1_l, W1_r, W2_l, b2_l, W2_r):
    src1d = edge_index[0].astype(jnp.int32)
    dst1d = edge_index[1].astype(jnp.int32)

    zeros_deg = jnp.zeros((ROWS_PER_SUB, DEG_W), jnp.float32)
    ones_tile = jnp.ones((CHUNK, DEG_W), jnp.float32)
    degp = _sc_degree(dst1d.reshape(NW, CHUNKS_PER_W, CHUNK), zeros_deg, ones_tile)

    p1, r1 = _stage1(x, emb, W1_l, W1_r, b1_l.reshape(1, HID))

    zeros_hid = jnp.zeros((ROWS_PER_SUB, HID), jnp.float32)
    aggp = _sc_segment_sum(p1, src1d, dst1d, zeros_hid, nbuf=2,
                           chunk=CHUNK, idxb=IDXB, tc_tiling=False)

    p2, r2 = _stage2(aggp, degp, r1, W2_l, W2_r, b2_l.reshape(1, OUT))

    zeros_out = jnp.zeros((ROWS_PER_SUB, OUT), jnp.float32)
    agg2p = _sc_segment_sum(p2, src1d, dst1d, zeros_out, nbuf=4,
                            chunk=CHUNK, idxb=IDXB, tc_tiling=False)

    return _stage3(agg2p, degp, r2)

# --- scband reference (transcript-rebuilt; emitter-appended) ---
"""Pipeline reference for scband-graph-sagenet-80676665688103 (READ-ONLY COPY).

The authoritative reference and input builder live on the scoring server;
editing this copy changes nothing except your own understanding.
"""

import jax, jax.numpy as jnp
import numpy as np

N = 10000
E = 320000
FEAT = 128
EMB = 64
HID = 128
OUT = 64
IN_DIM = FEAT + EMB


def setup_inputs(seed: int = 0) -> dict:
    key = jax.random.key(seed)
    ks = jax.random.split(key, 10)
    x = jax.random.normal(ks[0], (N, FEAT), dtype=jnp.float32)
    rng = np.random.default_rng(0)
    edge_index = jnp.asarray(rng.integers(0, N, size=(2, E), dtype=np.int64))
    # learnable node embedding table (init normal std=0.01, as in torch module)
    emb = 0.01 * jax.random.normal(ks[1], (N, EMB), dtype=jnp.float32)
    # SAGEConv1: lin_l (aggregated neighbors, with bias) and lin_r (root, no bias)
    W1_l = jax.random.normal(ks[2], (HID, IN_DIM), dtype=jnp.float32) / jnp.sqrt(IN_DIM)
    b1_l = jnp.zeros((HID,), dtype=jnp.float32)
    W1_r = jax.random.normal(ks[3], (HID, IN_DIM), dtype=jnp.float32) / jnp.sqrt(IN_DIM)
    # SAGEConv2
    W2_l = jax.random.normal(ks[4], (OUT, HID), dtype=jnp.float32) / jnp.sqrt(HID)
    b2_l = jnp.zeros((OUT,), dtype=jnp.float32)
    W2_r = jax.random.normal(ks[5], (OUT, HID), dtype=jnp.float32) / jnp.sqrt(HID)
    return {"x": x, "edge_index": edge_index, "emb": emb,
            "W1_l": W1_l, "b1_l": b1_l, "W1_r": W1_r,
            "W2_l": W2_l, "b2_l": b2_l, "W2_r": W2_r}


def _sage_conv(h, edge_index, W_l, b_l, W_r):
    # PyG-style SAGEConv with mean aggregation:
    #   out = lin_l(mean_{j in N(i)} h_j) + lin_r(h_i)
    src = edge_index[0]
    dst = edge_index[1]
    msg = jnp.take(h, src, axis=0)                       # gather (SparseCore)
    agg = jax.ops.segment_sum(msg, dst, num_segments=h.shape[0])  # scatter-add
    deg = jax.ops.segment_sum(jnp.ones((edge_index.shape[1],), dtype=h.dtype), dst, num_segments=h.shape[0])
    agg = agg / jnp.clip(deg, 1.0, None)[:, None]
    return agg @ W_l.T + b_l + h @ W_r.T


def reference(x, edge_index, emb, W1_l, b1_l, W1_r, W2_l, b2_l, W2_r):
    # node_emb(arange(N)) == full embedding table
    h = jnp.concatenate([x, emb], axis=-1)
    h = jax.nn.relu(_sage_conv(h, edge_index, W1_l, b1_l, W1_r))
    # dropout is identity in eval mode
    h = _sage_conv(h, edge_index, W2_l, b2_l, W2_r)
    return h

if __name__ == "__main__":
    import jax
    _d = setup_inputs()
    print(jax.jit(kernel)(*tuple(_d.values())))

</pallas_src>

<mosaic_0001>
#map = affine_map<(d0, d1) -> (0, 0)>
#map1 = affine_map<(d0, d1) -> (0, 0, 0)>
module attributes {stable_mosaic.version = 14 : i64} {
  func.func @seg_kernel(%arg0: i32, %arg1: i32, %arg2: memref<10112x64xf32, #tpu.memory_space<hbm>>, %arg3: memref<32x80x125xi32, #tpu.memory_space<hbm>>, %arg4: memref<32x80x125xi32, #tpu.memory_space<hbm>>, %arg5: memref<632x64xf32, #tpu.memory_space<hbm>>, %arg6: memref<2x10112x64xf32, #tpu.memory_space<hbm>>, %arg7: memref<16x125xi32, #tpu.memory_space<vmem>>, %arg8: memref<16x125xi32, #tpu.memory_space<vmem>>, %arg9: memref<125x64xf32, #tpu.memory_space<vmem>>, %arg10: memref<125x64xf32, #tpu.memory_space<vmem>>, %arg11: memref<125x64xf32, #tpu.memory_space<vmem>>, %arg12: memref<125x64xf32, #tpu.memory_space<vmem>>, %arg13: memref<10112x64xf32, #tpu.memory_space<vmem_shared>>, %arg14: memref<!tpu.dma_semaphore, #tpu.memory_space<semaphore_mem>>, %arg15: memref<!tpu.dma_semaphore, #tpu.memory_space<semaphore_mem>>, %arg16: memref<!tpu.dma_semaphore, #tpu.memory_space<semaphore_mem>>, %arg17: memref<!tpu.dma_semaphore, #tpu.memory_space<semaphore_mem>>) attributes {dimension_semantics = [#tpu.dimension_semantics<core_parallel>, #tpu.dimension_semantics<subcore_parallel>], iteration_bounds = array<i64: 2, 16>, scalar_prefetch = 0 : i64, scratch_operands = 11 : i64, tpu.core_type = #tpu.core_type<sc_vector_subcore>, window_params = [{transform_indices = #map}, {transform_indices = #map1}, {transform_indices = #map1}, {transform_indices = #map}, {transform_indices = #map1}]} {
    %mul3A = arith.constant 16 : i32
    %mul3A_0 = arith.muli %arg0, %mul3A : i32
    %add3A = arith.addi %mul3A_0, %arg1 : i32
    %mul3A_1 = arith.constant 632 : i32
    %mul3A_2 = arith.muli %arg1, %mul3A_1 : i32
    "tpu.region"() ({
      %run_scoped3A = tpu.sem_alloc : memref<!tpu.dma_semaphore, #tpu.memory_space<semaphore_mem>>
      %dma_start3A_37 = arith.constant 0 : i32
      %dma_start3A_38 = tpu.memref_slice %arg13[%mul3A_2, %dma_start3A_37] : memref<10112x64xf32, #tpu.memory_space<vmem_shared>> -> memref<632x64xf32, #tpu.memory_space<vmem_shared>>
      tpu.enqueue_dma source(%arg5 : memref<632x64xf32, #tpu.memory_space<hbm>>) target(%dma_start3A_38 : memref<632x64xf32, #tpu.memory_space<vmem_shared>>) target_semaphore(%run_scoped3A : memref<!tpu.dma_semaphore, #tpu.memory_space<semaphore_mem>>)
      %dma_wait3A = arith.constant 0 : i32
      %dma_wait3A_39 = tpu.memref_slice %arg13[%mul3A_2, %dma_wait3A] : memref<10112x64xf32, #tpu.memory_space<vmem_shared>> -> memref<632x64xf32, #tpu.memory_space<vmem_shared>>
      tpu.wait_dma2 semaphore(%run_scoped3A : memref<!tpu.dma_semaphore, #tpu.memory_space<semaphore_mem>>) src(%arg5 : memref<632x64xf32, #tpu.memory_space<hbm>>) dst(%dma_wait3A_39 : memref<632x64xf32, #tpu.memory_space<vmem_shared>>)
      tpu.yield
    }) : () -> ()
    %barrier3A = arith.constant 0 : index
    tpu.barrier barrier_id(%barrier3A)
    "tpu.region"() ({
      %run_scoped3A = tpu.sem_alloc : memref<!tpu.dma_semaphore, #tpu.memory_space<semaphore_mem>>
      %dma_start3A_37 = arith.constant 0 : i32
      %dma_start3A_38 = arith.constant 0 : i32
      %dma_start3A_39 = tpu.memref_slice %arg3[%add3A, %dma_start3A_37, %dma_start3A_38] : memref<32x80x125xi32, #tpu.memory_space<hbm>> -> memref<1x16x125xi32, #tpu.memory_space<hbm>>
      %dma_start3A_40 = tpu.memref_squeeze %dma_start3A_39 : memref<1x16x125xi32, #tpu.memory_space<hbm>> -> memref<16x125xi32, #tpu.memory_space<hbm>>
      %dma_start3A_41 = arith.constant 0 : i32
      %dma_start3A_42 = arith.constant 0 : i32
      %dma_start3A_43 = tpu.memref_slice %arg3[%add3A, %dma_start3A_41, %dma_start3A_42] : memref<32x80x125xi32, #tpu.memory_space<hbm>> -> memref<1x16x125xi32, #tpu.memory_space<hbm>>
      %dma_start3A_44 = tpu.memref_squeeze %dma_start3A_43 : memref<1x16x125xi32, #tpu.memory_space<hbm>> -> memref<16x125xi32, #tpu.memory_space<hbm>>
      tpu.enqueue_dma source(%dma_start3A_44 : memref<16x125xi32, #tpu.memory_space<hbm>>) target(%arg7 : memref<16x125xi32, #tpu.memory_space<vmem>>) target_semaphore(%run_scoped3A : memref<!tpu.dma_semaphore, #tpu.memory_space<semaphore_mem>>)
      %dma_wait3A = arith.constant 0 : i32
      %dma_wait3A_45 = arith.constant 0 : i32
      %dma_wait3A_46 = tpu.memref_slice %arg3[%add3A, %dma_wait3A, %dma_wait3A_45] : memref<32x80x125xi32, #tpu.memory_space<hbm>> -> memref<1x16x125xi32, #tpu.memory_space<hbm>>
      %dma_wait3A_47 = tpu.memref_squeeze %dma_wait3A_46 : memref<1x16x125xi32, #tpu.memory_space<hbm>> -> memref<16x125xi32, #tpu.memory_space<hbm>>
      %dma_wait3A_48 = arith.constant 0 : i32
      %dma_wait3A_49 = arith.constant 0 : i32
      %dma_wait3A_50 = tpu.memref_slice %arg3[%add3A, %dma_wait3A_48, %dma_wait3A_49] : memref<32x80x125xi32, #tpu.memory_space<hbm>> -> memref<1x16x125xi32, #tpu.memory_space<hbm>>
      %dma_wait3A_51 = tpu.memref_squeeze %dma_wait3A_50 : memref<1x16x125xi32, #tpu.memory_space<hbm>> -> memref<16x125xi32, #tpu.memory_space<hbm>>
      tpu.wait_dma2 semaphore(%run_scoped3A : memref<!tpu.dma_semaphore, #tpu.memory_space<semaphore_mem>>) src(%dma_wait3A_51 : memref<16x125xi32, #tpu.memory_space<hbm>>) dst(%arg7 : memref<16x125xi32, #tpu.memory_space<vmem>>)
      tpu.yield
    }) : () -> ()
    "tpu.region"() ({
      %run_scoped3A = tpu.sem_alloc : memref<!tpu.dma_semaphore, #tpu.memory_space<semaphore_mem>>
      %dma_start3A_37 = arith.constant 0 : i32
      %dma_start3A_38 = arith.constant 0 : i32
      %dma_start3A_39 = tpu.memref_slice %arg4[%add3A, %dma_start3A_37, %dma_start3A_38] : memref<32x80x125xi32, #tpu.memory_space<hbm>> -> memref<1x16x125xi32, #tpu.memory_space<hbm>>
      %dma_start3A_40 = tpu.memref_squeeze %dma_start3A_39 : memref<1x16x125xi32, #tpu.memory_space<hbm>> -> memref<16x125xi32, #tpu.memory_space<hbm>>
      %dma_start3A_41 = arith.constant 0 : i32
      %dma_start3A_42 = arith.constant 0 : i32
      %dma_start3A_43 = tpu.memref_slice %arg4[%add3A, %dma_start3A_41, %dma_start3A_42] : memref<32x80x125xi32, #tpu.memory_space<hbm>> -> memref<1x16x125xi32, #tpu.memory_space<hbm>>
      %dma_start3A_44 = tpu.memref_squeeze %dma_start3A_43 : memref<1x16x125xi32, #tpu.memory_space<hbm>> -> memref<16x125xi32, #tpu.memory_space<hbm>>
      tpu.enqueue_dma source(%dma_start3A_44 : memref<16x125xi32, #tpu.memory_space<hbm>>) target(%arg8 : memref<16x125xi32, #tpu.memory_space<vmem>>) target_semaphore(%run_scoped3A : memref<!tpu.dma_semaphore, #tpu.memory_space<semaphore_mem>>)
      %dma_wait3A = arith.constant 0 : i32
      %dma_wait3A_45 = arith.constant 0 : i32
      %dma_wait3A_46 = tpu.memref_slice %arg4[%add3A, %dma_wait3A, %dma_wait3A_45] : memref<32x80x125xi32, #tpu.memory_space<hbm>> -> memref<1x16x125xi32, #tpu.memory_space<hbm>>
      %dma_wait3A_47 = tpu.memref_squeeze %dma_wait3A_46 : memref<1x16x125xi32, #tpu.memory_space<hbm>> -> memref<16x125xi32, #tpu.memory_space<hbm>>
      %dma_wait3A_48 = arith.constant 0 : i32
      %dma_wait3A_49 = arith.constant 0 : i32
      %dma_wait3A_50 = tpu.memref_slice %arg4[%add3A, %dma_wait3A_48, %dma_wait3A_49] : memref<32x80x125xi32, #tpu.memory_space<hbm>> -> memref<1x16x125xi32, #tpu.memory_space<hbm>>
      %dma_wait3A_51 = tpu.memref_squeeze %dma_wait3A_50 : memref<1x16x125xi32, #tpu.memory_space<hbm>> -> memref<16x125xi32, #tpu.memory_space<hbm>>
      tpu.wait_dma2 semaphore(%run_scoped3A : memref<!tpu.dma_semaphore, #tpu.memory_space<semaphore_mem>>) src(%dma_wait3A_51 : memref<16x125xi32, #tpu.memory_space<hbm>>) dst(%arg8 : memref<16x125xi32, #tpu.memory_space<vmem>>)
      tpu.yield
    }) : () -> ()
    %dma_start3A = arith.constant 0 : i32
    %dma_start3A_3 = arith.constant 0 : i32
    %dma_start3A_4 = tpu.memref_slice %arg7[%dma_start3A, %dma_start3A_3] : memref<16x125xi32, #tpu.memory_space<vmem>> -> memref<1x125xi32, #tpu.memory_space<vmem>>
    %dma_start3A_5 = tpu.memref_squeeze %dma_start3A_4 : memref<1x125xi32, #tpu.memory_space<vmem>> -> memref<125xi32, #tpu.memory_space<vmem>>
    %dma_start3A_6 = arith.constant 0 : i32
    %dma_start3A_7 = arith.constant 0 : i32
    %dma_start3A_8 = tpu.memref_slice %arg2[%dma_start3A_6, %dma_start3A_7] : memref<10112x64xf32, #tpu.memory_space<hbm>> -> memref<10112x64xf32, #tpu.memory_space<hbm>>
    tpu.enqueue_indirect_dma source(%dma_start3A_8 : memref<10112x64xf32, #tpu.memory_space<hbm>>) target(%arg9 : memref<125x64xf32, #tpu.memory_space<vmem>>) offsets(%dma_start3A_5 : memref<125xi32, #tpu.memory_space<vmem>>) semaphore(%arg14 : memref<!tpu.dma_semaphore, #tpu.memory_space<semaphore_mem>>)
    %dma_start3A_9 = arith.constant 1 : i32
    %dma_start3A_10 = arith.constant 0 : i32
    %dma_start3A_11 = tpu.memref_slice %arg7[%dma_start3A_9, %dma_start3A_10] : memref<16x125xi32, #tpu.memory_space<vmem>> -> memref<1x125xi32, #tpu.memory_space<vmem>>
    %dma_start3A_12 = tpu.memref_squeeze %dma_start3A_11 : memref<1x125xi32, #tpu.memory_space<vmem>> -> memref<125xi32, #tpu.memory_space<vmem>>
    %dma_start3A_13 = arith.constant 0 : i32
    %dma_start3A_14 = arith.constant 0 : i32
    %dma_start3A_15 = tpu.memref_slice %arg2[%dma_start3A_13, %dma_start3A_14] : memref<10112x64xf32, #tpu.memory_space<hbm>> -> memref<10112x64xf32, #tpu.memory_space<hbm>>
    tpu.enqueue_indirect_dma source(%dma_start3A_15 : memref<10112x64xf32, #tpu.memory_space<hbm>>) target(%arg10 : memref<125x64xf32, #tpu.memory_space<vmem>>) offsets(%dma_start3A_12 : memref<125xi32, #tpu.memory_space<vmem>>) semaphore(%arg15 : memref<!tpu.dma_semaphore, #tpu.memory_space<semaphore_mem>>)
    %dma_start3A_16 = arith.constant 2 : i32
    %dma_start3A_17 = arith.constant 0 : i32
    %dma_start3A_18 = tpu.memref_slice %arg7[%dma_start3A_16, %dma_start3A_17] : memref<16x125xi32, #tpu.memory_space<vmem>> -> memref<1x125xi32, #tpu.memory_space<vmem>>
    %dma_start3A_19 = tpu.memref_squeeze %dma_start3A_18 : memref<1x125xi32, #tpu.memory_space<vmem>> -> memref<125xi32, #tpu.memory_space<vmem>>
    %dma_start3A_20 = arith.constant 0 : i32
    %dma_start3A_21 = arith.constant 0 : i32
    %dma_start3A_22 = tpu.memref_slice %arg2[%dma_start3A_20, %dma_start3A_21] : memref<10112x64xf32, #tpu.memory_space<hbm>> -> memref<10112x64xf32, #tpu.memory_space<hbm>>
    tpu.enqueue_indirect_dma source(%dma_start3A_22 : memref<10112x64xf32, #tpu.memory_space<hbm>>) target(%arg11 : memref<125x64xf32, #tpu.memory_space<vmem>>) offsets(%dma_start3A_19 : memref<125xi32, #tpu.memory_space<vmem>>) semaphore(%arg16 : memref<!tpu.dma_semaphore, #tpu.memory_space<semaphore_mem>>)
    %dma_start3A_23 = arith.constant 3 : i32
    %dma_start3A_24 = arith.constant 0 : i32
    %dma_start3A_25 = tpu.memref_slice %arg7[%dma_start3A_23, %dma_start3A_24] : memref<16x125xi32, #tpu.memory_space<vmem>> -> memref<1x125xi32, #tpu.memory_space<vmem>>
    %dma_start3A_26 = tpu.memref_squeeze %dma_start3A_25 : memref<1x125xi32, #tpu.memory_space<vmem>> -> memref<125xi32, #tpu.memory_space<vmem>>
    %dma_start3A_27 = arith.constant 0 : i32
    %dma_start3A_28 = arith.constant 0 : i32
    %dma_start3A_29 = tpu.memref_slice %arg2[%dma_start3A_27, %dma_start3A_28] : memref<10112x64xf32, #tpu.memory_space<hbm>> -> memref<10112x64xf32, #tpu.memory_space<hbm>>
    tpu.enqueue_indirect_dma source(%dma_start3A_29 : memref<10112x64xf32, #tpu.memory_space<hbm>>) target(%arg12 : memref<125x64xf32, #tpu.memory_space<vmem>>) offsets(%dma_start3A_26 : memref<125xi32, #tpu.memory_space<vmem>>) semaphore(%arg17 : memref<!tpu.dma_semaphore, #tpu.memory_space<semaphore_mem>>)
    %scan3A = arith.constant 0 : i32
    %scan3A_30 = arith.constant 5 : i32
    %scan3A_31 = arith.addi %scan3A, %scan3A_30 : i32
    %scan3A_32 = arith.constant 1 : i32
    scf.for %scan3A_37 = %scan3A to %scan3A_31 step %scan3A_32  : i32 {
      %mul3A_38 = arith.constant 1 : i32
      %mul3A_39 = arith.muli %scan3A_37, %mul3A_38 : i32
      %add3A_40 = arith.constant 0 : i32
      %add3A_41 = arith.addi %add3A_40, %mul3A_39 : i32
      %scan3A_42 = arith.constant 0 : i32
      %scan3A_43 = arith.constant 4 : i32
      %scan3A_44 = arith.addi %scan3A_42, %scan3A_43 : i32
      %scan3A_45 = arith.constant 1 : i32
      scf.for %scan3A_49 = %scan3A_42 to %scan3A_44 step %scan3A_45  : i32 {
        %mul3A_50 = arith.constant 4 : i32
        %mul3A_51 = arith.muli %scan3A_49, %mul3A_50 : i32
        %add3A_52 = arith.constant 0 : i32
        %add3A_53 = arith.addi %add3A_52, %mul3A_51 : i32
        %add3A_54 = arith.constant 0 : i32
        %add3A_55 = arith.addi %add3A_53, %add3A_54 : i32
        %dma_wait3A = arith.constant 0 : i32
        %dma_wait3A_56 = tpu.memref_slice %arg7[%add3A_55, %dma_wait3A] : memref<16x125xi32, #tpu.memory_space<vmem>> -> memref<1x125xi32, #tpu.memory_space<vmem>>
        %dma_wait3A_57 = tpu.memref_squeeze %dma_wait3A_56 : memref<1x125xi32, #tpu.memory_space<vmem>> -> memref<125xi32, #tpu.memory_space<vmem>>
        %dma_wait3A_58 = arith.constant 0 : i32
        %dma_wait3A_59 = arith.constant 0 : i32
        %dma_wait3A_60 = tpu.memref_slice %arg2[%dma_wait3A_58, %dma_wait3A_59] : memref<10112x64xf32, #tpu.memory_space<hbm>> -> memref<10112x64xf32, #tpu.memory_space<hbm>>
        tpu.wait_indirect_dma semaphore(%arg14 : memref<!tpu.dma_semaphore, #tpu.memory_space<semaphore_mem>>) src(%dma_wait3A_60 : memref<10112x64xf32, #tpu.memory_space<hbm>>) dst(%arg9 : memref<125x64xf32, #tpu.memory_space<vmem>>)
        "tpu.region"() ({
          %run_scoped3A = tpu.sem_alloc : memref<!tpu.dma_semaphore, #tpu.memory_space<semaphore_mem>>
          %dma_start3A_105 = arith.constant 0 : i32
          %dma_start3A_106 = tpu.memref_slice %arg8[%add3A_55, %dma_start3A_105] : memref<16x125xi32, #tpu.memory_space<vmem>> -> memref<1x125xi32, #tpu.memory_space<vmem>>
          %dma_start3A_107 = tpu.memref_squeeze %dma_start3A_106 : memref<1x125xi32, #tpu.memory_space<vmem>> -> memref<125xi32, #tpu.memory_space<vmem>>
          %dma_start3A_108 = arith.constant 0 : i32
          %dma_start3A_109 = arith.constant 0 : i32
          %dma_start3A_110 = tpu.memref_slice %arg13[%dma_start3A_108, %dma_start3A_109] : memref<10112x64xf32, #tpu.memory_space<vmem_shared>> -> memref<10112x64xf32, #tpu.memory_space<vmem_shared>>
          tpu.enqueue_indirect_dma source(%arg9 : memref<125x64xf32, #tpu.memory_space<vmem>>) target(%dma_start3A_110 : memref<10112x64xf32, #tpu.memory_space<vmem_shared>>) offsets(%dma_start3A_107 : memref<125xi32, #tpu.memory_space<vmem>>) semaphore(%run_scoped3A : memref<!tpu.dma_semaphore, #tpu.memory_space<semaphore_mem>>) {add = true}
          %dma_wait3A_111 = arith.constant 0 : i32
          %dma_wait3A_112 = tpu.memref_slice %arg8[%add3A_55, %dma_wait3A_111] : memref<16x125xi32, #tpu.memory_space<vmem>> -> memref<1x125xi32, #tpu.memory_space<vmem>>
          %dma_wait3A_113 = tpu.memref_squeeze %dma_wait3A_112 : memref<1x125xi32, #tpu.memory_space<vmem>> -> memref<125xi32, #tpu.memory_space<vmem>>
          %dma_wait3A_114 = arith.constant 0 : i32
          %dma_wait3A_115 = arith.constant 0 : i32
          %dma_wait3A_116 = tpu.memref_slice %arg13[%dma_wait3A_114, %dma_wait3A_115] : memref<10112x64xf32, #tpu.memory_space<vmem_shared>> -> memref<10112x64xf32, #tpu.memory_space<vmem_shared>>
          tpu.wait_indirect_dma semaphore(%run_scoped3A : memref<!tpu.dma_semaphore, #tpu.memory_space<semaphore_mem>>) src(%arg9 : memref<125x64xf32, #tpu.memory_space<vmem>>) dst(%dma_wait3A_116 : memref<10112x64xf32, #tpu.memory_space<vmem_shared>>)
          tpu.yield
        }) : () -> ()
        %lt3A_61 = arith.constant 12 : i32
        %lt3A_62 = arith.cmpi slt, %add3A_55, %lt3A_61 : i32
        %convert_element_type3A_63 = arith.extui %lt3A_62 : i1 to i32
        %cond3A_64 = arith.constant 0 : i32
        %cond3A_65 = arith.cmpi ne, %convert_element_type3A_63, %cond3A_64 : i32
        scf.if %cond3A_65 {
          %add3A_105 = arith.constant 4 : i32
          %add3A_106 = arith.addi %add3A_55, %add3A_105 : i32
          %dma_start3A_107 = arith.constant 0 : i32
          %dma_start3A_108 = tpu.memref_slice %arg7[%add3A_106, %dma_start3A_107] : memref<16x125xi32, #tpu.memory_space<vmem>> -> memref<1x125xi32, #tpu.memory_space<vmem>>
          %dma_start3A_109 = tpu.memref_squeeze %dma_start3A_108 : memref<1x125xi32, #tpu.memory_space<vmem>> -> memref<125xi32, #tpu.memory_space<vmem>>
          %dma_start3A_110 = arith.constant 0 : i32
          %dma_start3A_111 = arith.constant 0 : i32
          %dma_start3A_112 = tpu.memref_slice %arg2[%dma_start3A_110, %dma_start3A_111] : memref<10112x64xf32, #tpu.memory_space<hbm>> -> memref<10112x64xf32, #tpu.memory_space<hbm>>
          tpu.enqueue_indirect_dma source(%dma_start3A_112 : memref<10112x64xf32, #tpu.memory_space<hbm>>) target(%arg9 : memref<125x64xf32, #tpu.memory_space<vmem>>) offsets(%dma_start3A_109 : memref<125xi32, #tpu.memory_space<vmem>>) semaphore(%arg14 : memref<!tpu.dma_semaphore, #tpu.memory_space<semaphore_mem>>)
        } else {
        }
        %add3A_66 = arith.constant 1 : i32
        %add3A_67 = arith.addi %add3A_53, %add3A_66 : i32
        %dma_wait3A_68 = arith.constant 0 : i32
        %dma_wait3A_69 = tpu.memref_slice %arg7[%add3A_67, %dma_wait3A_68] : memref<16x125xi32, #tpu.memory_space<vmem>> -> memref<1x125xi32, #tpu.memory_space<vmem>>
        %dma_wait3A_70 = tpu.memref_squeeze %dma_wait3A_69 : memref<1x125xi32, #tpu.memory_space<vmem>> -> memref<125xi32, #tpu.memory_space<vmem>>
        %dma_wait3A_71 = arith.constant 0 : i32
        %dma_wait3A_72 = arith.constant 0 : i32
        %dma_wait3A_73 = tpu.memref_slice %arg2[%dma_wait3A_71, %dma_wait3A_72] : memref<10112x64xf32, #tpu.memory_space<hbm>> -> memref<10112x64xf32, #tpu.memory_space<hbm>>
        tpu.wait_indirect_dma semaphore(%arg15 : memref<!tpu.dma_semaphore, #tpu.memory_space<semaphore_mem>>) src(%dma_wait3A_73 : memref<10112x64xf32, #tpu.memory_space<hbm>>) dst(%arg10 : memref<125x64xf32, #tpu.memory_space<vmem>>)
        "tpu.region"() ({
          %run_scoped3A = tpu.sem_alloc : memref<!tpu.dma_semaphore, #tpu.memory_space<semaphore_mem>>
          %dma_start3A_105 = arith.constant 0 : i32
          %dma_start3A_106 = tpu.memref_slice %arg8[%add3A_67, %dma_start3A_105] : memref<16x125xi32, #tpu.memory_space<vmem>> -> memref<1x125xi32, #tpu.memory_space<vmem>>
          %dma_start3A_107 = tpu.memref_squeeze %dma_start3A_106 : memref<1x125xi32, #tpu.memory_space<vmem>> -> memref<125xi32, #tpu.memory_space<vmem>>
          %dma_start3A_108 = arith.constant 0 : i32
          %dma_start3A_109 = arith.constant 0 : i32
          %dma_start3A_110 = tpu.memref_slice %arg13[%dma_start3A_108, %dma_start3A_109] : memref<10112x64xf32, #tpu.memory_space<vmem_shared>> -> memref<10112x64xf32, #tpu.memory_space<vmem_shared>>
          tpu.enqueue_indirect_dma source(%arg10 : memref<125x64xf32, #tpu.memory_space<vmem>>) target(%dma_start3A_110 : memref<10112x64xf32, #tpu.memory_space<vmem_shared>>) offsets(%dma_start3A_107 : memref<125xi32, #tpu.memory_space<vmem>>) semaphore(%run_scoped3A : memref<!tpu.dma_semaphore, #tpu.memory_space<semaphore_mem>>) {add = true}
          %dma_wait3A_111 = arith.constant 0 : i32
          %dma_wait3A_112 = tpu.memref_slice %arg8[%add3A_67, %dma_wait3A_111] : memref<16x125xi32, #tpu.memory_space<vmem>> -> memref<1x125xi32, #tpu.memory_space<vmem>>
          %dma_wait3A_113 = tpu.memref_squeeze %dma_wait3A_112 : memref<1x125xi32, #tpu.memory_space<vmem>> -> memref<125xi32, #tpu.memory_space<vmem>>
          %dma_wait3A_114 = arith.constant 0 : i32
          %dma_wait3A_115 = arith.constant 0 : i32
          %dma_wait3A_116 = tpu.memref_slice %arg13[%dma_wait3A_114, %dma_wait3A_115] : memref<10112x64xf32, #tpu.memory_space<vmem_shared>> -> memref<10112x64xf32, #tpu.memory_space<vmem_shared>>
          tpu.wait_indirect_dma semaphore(%run_scoped3A : memref<!tpu.dma_semaphore, #tpu.memory_space<semaphore_mem>>) src(%arg10 : memref<125x64xf32, #tpu.memory_space<vmem>>) dst(%dma_wait3A_116 : memref<10112x64xf32, #tpu.memory_space<vmem_shared>>)
          tpu.yield
        }) : () -> ()
        %lt3A_74 = arith.constant 12 : i32
        %lt3A_75 = arith.cmpi slt, %add3A_67, %lt3A_74 : i32
        %convert_element_type3A_76 = arith.extui %lt3A_75 : i1 to i32
        %cond3A_77 = arith.constant 0 : i32
        %cond3A_78 = arith.cmpi ne, %convert_element_type3A_76, %cond3A_77 : i32
        scf.if %cond3A_78 {
          %add3A_105 = arith.constant 4 : i32
          %add3A_106 = arith.addi %add3A_67, %add3A_105 : i32
          %dma_start3A_107 = arith.constant 0 : i32
          %dma_start3A_108 = tpu.memref_slice %arg7[%add3A_106, %dma_start3A_107] : memref<16x125xi32, #tpu.memory_space<vmem>> -> memref<1x125xi32, #tpu.memory_space<vmem>>
          %dma_start3A_109 = tpu.memref_squeeze %dma_start3A_108 : memref<1x125xi32, #tpu.memory_space<vmem>> -> memref<125xi32, #tpu.memory_space<vmem>>
          %dma_start3A_110 = arith.constant 0 : i32
          %dma_start3A_111 = arith.constant 0 : i32
          %dma_start3A_112 = tpu.memref_slice %arg2[%dma_start3A_110, %dma_start3A_111] : memref<10112x64xf32, #tpu.memory_space<hbm>> -> memref<10112x64xf32, #tpu.memory_space<hbm>>
          tpu.enqueue_indirect_dma source(%dma_start3A_112 : memref<10112x64xf32, #tpu.memory_space<hbm>>) target(%arg10 : memref<125x64xf32, #tpu.memory_space<vmem>>) offsets(%dma_start3A_109 : memref<125xi32, #tpu.memory_space<vmem>>) semaphore(%arg15 : memref<!tpu.dma_semaphore, #tpu.memory_space<semaphore_mem>>)
        } else {
        }
        %add3A_79 = arith.constant 2 : i32
        %add3A_80 = arith.addi %add3A_53, %add3A_79 : i32
        %dma_wait3A_81 = arith.constant 0 : i32
        %dma_wait3A_82 = tpu.memref_slice %arg7[%add3A_80, %dma_wait3A_81] : memref<16x125xi32, #tpu.memory_space<vmem>> -> memref<1x125xi32, #tpu.memory_space<vmem>>
        %dma_wait3A_83 = tpu.memref_squeeze %dma_wait3A_82 : memref<1x125xi32, #tpu.memory_space<vmem>> -> memref<125xi32, #tpu.memory_space<vmem>>
        %dma_wait3A_84 = arith.constant 0 : i32
        %dma_wait3A_85 = arith.constant 0 : i32
        %dma_wait3A_86 = tpu.memref_slice %arg2[%dma_wait3A_84, %dma_wait3A_85] : memref<10112x64xf32, #tpu.memory_space<hbm>> -> memref<10112x64xf32, #tpu.memory_space<hbm>>
        tpu.wait_indirect_dma semaphore(%arg16 : memref<!tpu.dma_semaphore, #tpu.memory_space<semaphore_mem>>) src(%dma_wait3A_86 : memref<10112x64xf32, #tpu.memory_space<hbm>>) dst(%arg11 : memref<125x64xf32, #tpu.memory_space<vmem>>)
        "tpu.region"() ({
          %run_scoped3A = tpu.sem_alloc : memref<!tpu.dma_semaphore, #tpu.memory_space<semaphore_mem>>
          %dma_start3A_105 = arith.constant 0 : i32
          %dma_start3A_106 = tpu.memref_slice %arg8[%add3A_80, %dma_start3A_105] : memref<16x125xi32, #tpu.memory_space<vmem>> -> memref<1x125xi32, #tpu.memory_space<vmem>>
          %dma_start3A_107 = tpu.memref_squeeze %dma_start3A_106 : memref<1x125xi32, #tpu.memory_space<vmem>> -> memref<125xi32, #tpu.memory_space<vmem>>
          %dma_start3A_108 = arith.constant 0 : i32
          %dma_start3A_109 = arith.constant 0 : i32
          %dma_start3A_110 = tpu.memref_slice %arg13[%dma_start3A_108, %dma_start3A_109] : memref<10112x64xf32, #tpu.memory_space<vmem_shared>> -> memref<10112x64xf32, #tpu.memory_space<vmem_shared>>
          tpu.enqueue_indirect_dma source(%arg11 : memref<125x64xf32, #tpu.memory_space<vmem>>) target(%dma_start3A_110 : memref<10112x64xf32, #tpu.memory_space<vmem_shared>>) offsets(%dma_start3A_107 : memref<125xi32, #tpu.memory_space<vmem>>) semaphore(%run_scoped3A : memref<!tpu.dma_semaphore, #tpu.memory_space<semaphore_mem>>) {add = true}
          %dma_wait3A_111 = arith.constant 0 : i32
          %dma_wait3A_112 = tpu.memref_slice %arg8[%add3A_80, %dma_wait3A_111] : memref<16x125xi32, #tpu.memory_space<vmem>> -> memref<1x125xi32, #tpu.memory_space<vmem>>
          %dma_wait3A_113 = tpu.memref_squeeze %dma_wait3A_112 : memref<1x125xi32, #tpu.memory_space<vmem>> -> memref<125xi32, #tpu.memory_space<vmem>>
          %dma_wait3A_114 = arith.constant 0 : i32
          %dma_wait3A_115 = arith.constant 0 : i32
          %dma_wait3A_116 = tpu.memref_slice %arg13[%dma_wait3A_114, %dma_wait3A_115] : memref<10112x64xf32, #tpu.memory_space<vmem_shared>> -> memref<10112x64xf32, #tpu.memory_space<vmem_shared>>
          tpu.wait_indirect_dma semaphore(%run_scoped3A : memref<!tpu.dma_semaphore, #tpu.memory_space<semaphore_mem>>) src(%arg11 : memref<125x64xf32, #tpu.memory_space<vmem>>) dst(%dma_wait3A_116 : memref<10112x64xf32, #tpu.memory_space<vmem_shared>>)
          tpu.yield
        }) : () -> ()
        %lt3A_87 = arith.constant 12 : i32
        %lt3A_88 = arith.cmpi slt, %add3A_80, %lt3A_87 : i32
        %convert_element_type3A_89 = arith.extui %lt3A_88 : i1 to i32
        %cond3A_90 = arith.constant 0 : i32
        %cond3A_91 = arith.cmpi ne, %convert_element_type3A_89, %cond3A_90 : i32
        scf.if %cond3A_91 {
          %add3A_105 = arith.constant 4 : i32
          %add3A_106 = arith.addi %add3A_80, %add3A_105 : i32
          %dma_start3A_107 = arith.constant 0 : i32
          %dma_start3A_108 = tpu.memref_slice %arg7[%add3A_106, %dma_start3A_107] : memref<16x125xi32, #tpu.memory_space<vmem>> -> memref<1x125xi32, #tpu.memory_space<vmem>>
          %dma_start3A_109 = tpu.memref_squeeze %dma_start3A_108 : memref<1x125xi32, #tpu.memory_space<vmem>> -> memref<125xi32, #tpu.memory_space<vmem>>
          %dma_start3A_110 = arith.constant 0 : i32
          %dma_start3A_111 = arith.constant 0 : i32
          %dma_start3A_112 = tpu.memref_slice %arg2[%dma_start3A_110, %dma_start3A_111] : memref<10112x64xf32, #tpu.memory_space<hbm>> -> memref<10112x64xf32, #tpu.memory_space<hbm>>
          tpu.enqueue_indirect_dma source(%dma_start3A_112 : memref<10112x64xf32, #tpu.memory_space<hbm>>) target(%arg11 : memref<125x64xf32, #tpu.memory_space<vmem>>) offsets(%dma_start3A_109 : memref<125xi32, #tpu.memory_space<vmem>>) semaphore(%arg16 : memref<!tpu.dma_semaphore, #tpu.memory_space<semaphore_mem>>)
        } else {
        }
        %add3A_92 = arith.constant 3 : i32
        %add3A_93 = arith.addi %add3A_53, %add3A_92 : i32
        %dma_wait3A_94 = arith.constant 0 : i32
        %dma_wait3A_95 = tpu.memref_slice %arg7[%add3A_93, %dma_wait3A_94] : memref<16x125xi32, #tpu.memory_space<vmem>> -> memref<1x125xi32, #tpu.memory_space<vmem>>
        %dma_wait3A_96 = tpu.memref_squeeze %dma_wait3A_95 : memref<1x125xi32, #tpu.memory_space<vmem>> -> memref<125xi32, #tpu.memory_space<vmem>>
        %dma_wait3A_97 = arith.constant 0 : i32
        %dma_wait3A_98 = arith.constant 0 : i32
        %dma_wait3A_99 = tpu.memref_slice %arg2[%dma_wait3A_97, %dma_wait3A_98] : memref<10112x64xf32, #tpu.memory_space<hbm>> -> memref<10112x64xf32, #tpu.memory_space<hbm>>
        tpu.wait_indirect_dma semaphore(%arg17 : memref<!tpu.dma_semaphore, #tpu.memory_space<semaphore_mem>>) src(%dma_wait3A_99 : memref<10112x64xf32, #tpu.memory_space<hbm>>) dst(%arg12 : memref<125x64xf32, #tpu.memory_space<vmem>>)
        "tpu.region"() ({
          %run_scoped3A = tpu.sem_alloc : memref<!tpu.dma_semaphore, #tpu.memory_space<semaphore_mem>>
          %dma_start3A_105 = arith.constant 0 : i32
          %dma_start3A_106 = tpu.memref_slice %arg8[%add3A_93, %dma_start3A_105] : memref<16x125xi32, #tpu.memory_space<vmem>> -> memref<1x125xi32, #tpu.memory_space<vmem>>
          %dma_start3A_107 = tpu.memref_squeeze %dma_start3A_106 : memref<1x125xi32, #tpu.memory_space<vmem>> -> memref<125xi32, #tpu.memory_space<vmem>>
          %dma_start3A_108 = arith.constant 0 : i32
          %dma_start3A_109 = arith.constant 0 : i32
          %dma_start3A_110 = tpu.memref_slice %arg13[%dma_start3A_108, %dma_start3A_109] : memref<10112x64xf32, #tpu.memory_space<vmem_shared>> -> memref<10112x64xf32, #tpu.memory_space<vmem_shared>>
          tpu.enqueue_indirect_dma source(%arg12 : memref<125x64xf32, #tpu.memory_space<vmem>>) target(%dma_start3A_110 : memref<10112x64xf32, #tpu.memory_space<vmem_shared>>) offsets(%dma_start3A_107 : memref<125xi32, #tpu.memory_space<vmem>>) semaphore(%run_scoped3A : memref<!tpu.dma_semaphore, #tpu.memory_space<semaphore_mem>>) {add = true}
          %dma_wait3A_111 = arith.constant 0 : i32
          %dma_wait3A_112 = tpu.memref_slice %arg8[%add3A_93, %dma_wait3A_111] : memref<16x125xi32, #tpu.memory_space<vmem>> -> memref<1x125xi32, #tpu.memory_space<vmem>>
          %dma_wait3A_113 = tpu.memref_squeeze %dma_wait3A_112 : memref<1x125xi32, #tpu.memory_space<vmem>> -> memref<125xi32, #tpu.memory_space<vmem>>
          %dma_wait3A_114 = arith.constant 0 : i32
          %dma_wait3A_115 = arith.constant 0 : i32
          %dma_wait3A_116 = tpu.memref_slice %arg13[%dma_wait3A_114, %dma_wait3A_115] : memref<10112x64xf32, #tpu.memory_space<vmem_shared>> -> memref<10112x64xf32, #tpu.memory_space<vmem_shared>>
          tpu.wait_indirect_dma semaphore(%run_scoped3A : memref<!tpu.dma_semaphore, #tpu.memory_space<semaphore_mem>>) src(%arg12 : memref<125x64xf32, #tpu.memory_space<vmem>>) dst(%dma_wait3A_116 : memref<10112x64xf32, #tpu.memory_space<vmem_shared>>)
          tpu.yield
        }) : () -> ()
        %lt3A_100 = arith.constant 12 : i32
        %lt3A_101 = arith.cmpi slt, %add3A_93, %lt3A_100 : i32
        %convert_element_type3A_102 = arith.extui %lt3A_101 : i1 to i32
        %cond3A_103 = arith.constant 0 : i32
        %cond3A_104 = arith.cmpi ne, %convert_element_type3A_102, %cond3A_103 : i32
        scf.if %cond3A_104 {
          %add3A_105 = arith.constant 4 : i32
          %add3A_106 = arith.addi %add3A_93, %add3A_105 : i32
          %dma_start3A_107 = arith.constant 0 : i32
          %dma_start3A_108 = tpu.memref_slice %arg7[%add3A_106, %dma_start3A_107] : memref<16x125xi32, #tpu.memory_space<vmem>> -> memref<1x125xi32, #tpu.memory_space<vmem>>
          %dma_start3A_109 = tpu.memref_squeeze %dma_start3A_108 : memref<1x125xi32, #tpu.memory_space<vmem>> -> memref<125xi32, #tpu.memory_space<vmem>>
          %dma_start3A_110 = arith.constant 0 : i32
          %dma_start3A_111 = arith.constant 0 : i32
          %dma_start3A_112 = tpu.memref_slice %arg2[%dma_start3A_110, %dma_start3A_111] : memref<10112x64xf32, #tpu.memory_space<hbm>> -> memref<10112x64xf32, #tpu.memory_space<hbm>>
          tpu.enqueue_indirect_dma source(%dma_start3A_112 : memref<10112x64xf32, #tpu.memory_space<hbm>>) target(%arg12 : memref<125x64xf32, #tpu.memory_space<vmem>>) offsets(%dma_start3A_109 : memref<125xi32, #tpu.memory_space<vmem>>) semaphore(%arg17 : memref<!tpu.dma_semaphore, #tpu.memory_space<semaphore_mem>>)
        } else {
        }
      }
      %scan3A_46 = arith.constant 4 : i32
      %lt3A = arith.constant 4 : i32
      %lt3A_47 = arith.cmpi slt, %add3A_41, %lt3A : i32
      %convert_element_type3A = arith.extui %lt3A_47 : i1 to i32
      %cond3A = arith.constant 0 : i32
      %cond3A_48 = arith.cmpi ne, %convert_element_type3A, %cond3A : i32
      scf.if %cond3A_48 {
        %add3A_49 = arith.constant 1 : i32
        %add3A_50 = arith.addi %add3A_41, %add3A_49 : i32
        %mul3A_51 = arith.constant 16 : i32
        %mul3A_52 = arith.muli %add3A_50, %mul3A_51 : i32
        "tpu.region"() ({
          %run_scoped3A = tpu.sem_alloc : memref<!tpu.dma_semaphore, #tpu.memory_space<semaphore_mem>>
          %dma_start3A_83 = arith.constant 0 : i32
          %dma_start3A_84 = tpu.memref_slice %arg3[%add3A, %mul3A_52, %dma_start3A_83] : memref<32x80x125xi32, #tpu.memory_space<hbm>> -> memref<1x16x125xi32, #tpu.memory_space<hbm>>
          %dma_start3A_85 = tpu.memref_squeeze %dma_start3A_84 : memref<1x16x125xi32, #tpu.memory_space<hbm>> -> memref<16x125xi32, #tpu.memory_space<hbm>>
          %dma_start3A_86 = arith.constant 0 : i32
          %dma_start3A_87 = tpu.memref_slice %arg3[%add3A, %mul3A_52, %dma_start3A_86] : memref<32x80x125xi32, #tpu.memory_space<hbm>> -> memref<1x16x125xi32, #tpu.memory_space<hbm>>
          %dma_start3A_88 = tpu.memref_squeeze %dma_start3A_87 : memref<1x16x125xi32, #tpu.memory_space<hbm>> -> memref<16x125xi32, #tpu.memory_space<hbm>>
          tpu.enqueue_dma source(%dma_start3A_88 : memref<16x125xi32, #tpu.memory_space<hbm>>) target(%arg7 : memref<16x125xi32, #tpu.memory_space<vmem>>) target_semaphore(%run_scoped3A : memref<!tpu.dma_semaphore, #tpu.memory_space<semaphore_mem>>)
          %dma_wait3A = arith.constant 0 : i32
          %dma_wait3A_89 = tpu.memref_slice %arg3[%add3A, %mul3A_52, %dma_wait3A] : memref<32x80x125xi32, #tpu.memory_space<hbm>> -> memref<1x16x125xi32, #tpu.memory_space<hbm>>
          %dma_wait3A_90 = tpu.memref_squeeze %dma_wait3A_89 : memref<1x16x125xi32, #tpu.memory_space<hbm>> -> memref<16x125xi32, #tpu.memory_space<hbm>>
          %dma_wait3A_91 = arith.constant 0 : i32
          %dma_wait3A_92 = tpu.memref_slice %arg3[%add3A, %mul3A_52, %dma_wait3A_91] : memref<32x80x125xi32, #tpu.memory_space<hbm>> -> memref<1x16x125xi32, #tpu.memory_space<hbm>>
          %dma_wait3A_93 = tpu.memref_squeeze %dma_wait3A_92 : memref<1x16x125xi32, #tpu.memory_space<hbm>> -> memref<16x125xi32, #tpu.memory_space<hbm>>
          tpu.wait_dma2 semaphore(%run_scoped3A : memref<!tpu.dma_semaphore, #tpu.memory_space<semaphore_mem>>) src(%dma_wait3A_93 : memref<16x125xi32, #tpu.memory_space<hbm>>) dst(%arg7 : memref<16x125xi32, #tpu.memory_space<vmem>>)
          tpu.yield
        }) : () -> ()
        %mul3A_53 = arith.constant 16 : i32
        %mul3A_54 = arith.muli %add3A_50, %mul3A_53 : i32
        "tpu.region"() ({
          %run_scoped3A = tpu.sem_alloc : memref<!tpu.dma_semaphore, #tpu.memory_space<semaphore_mem>>
          %dma_start3A_83 = arith.constant 0 : i32
          %dma_start3A_84 = tpu.memref_slice %arg4[%add3A, %mul3A_54, %dma_start3A_83] : memref<32x80x125xi32, #tpu.memory_space<hbm>> -> memref<1x16x125xi32, #tpu.memory_space<hbm>>
          %dma_start3A_85 = tpu.memref_squeeze %dma_start3A_84 : memref<1x16x125xi32, #tpu.memory_space<hbm>> -> memref<16x125xi32, #tpu.memory_space<hbm>>
          %dma_start3A_86 = arith.constant 0 : i32
          %dma_start3A_87 = tpu.memref_slice %arg4[%add3A, %mul3A_54, %dma_start3A_86] : memref<32x80x125xi32, #tpu.memory_space<hbm>> -> memref<1x16x125xi32, #tpu.memory_space<hbm>>
          %dma_start3A_88 = tpu.memref_squeeze %dma_start3A_87 : memref<1x16x125xi32, #tpu.memory_space<hbm>> -> memref<16x125xi32, #tpu.memory_space<hbm>>
          tpu.enqueue_dma source(%dma_start3A_88 : memref<16x125xi32, #tpu.memory_space<hbm>>) target(%arg8 : memref<16x125xi32, #tpu.memory_space<vmem>>) target_semaphore(%run_scoped3A : memref<!tpu.dma_semaphore, #tpu.memory_space<semaphore_mem>>)
          %dma_wait3A = arith.constant 0 : i32
          %dma_wait3A_89 = tpu.memref_slice %arg4[%add3A, %mul3A_54, %dma_wait3A] : memref<32x80x125xi32, #tpu.memory_space<hbm>> -> memref<1x16x125xi32, #tpu.memory_space<hbm>>
          %dma_wait3A_90 = tpu.memref_squeeze %dma_wait3A_89 : memref<1x16x125xi32, #tpu.memory_space<hbm>> -> memref<16x125xi32, #tpu.memory_space<hbm>>
          %dma_wait3A_91 = arith.constant 0 : i32
          %dma_wait3A_92 = tpu.memref_slice %arg4[%add3A, %mul3A_54, %dma_wait3A_91] : memref<32x80x125xi32, #tpu.memory_space<hbm>> -> memref<1x16x125xi32, #tpu.memory_space<hbm>>
          %dma_wait3A_93 = tpu.memref_squeeze %dma_wait3A_92 : memref<1x16x125xi32, #tpu.memory_space<hbm>> -> memref<16x125xi32, #tpu.memory_space<hbm>>
          tpu.wait_dma2 semaphore(%run_scoped3A : memref<!tpu.dma_semaphore, #tpu.memory_space<semaphore_mem>>) src(%dma_wait3A_93 : memref<16x125xi32, #tpu.memory_space<hbm>>) dst(%arg8 : memref<16x125xi32, #tpu.memory_space<vmem>>)
          tpu.yield
        }) : () -> ()
        %dma_start3A_55 = arith.constant 0 : i32
        %dma_start3A_56 = arith.constant 0 : i32
        %dma_start3A_57 = tpu.memref_slice %arg7[%dma_start3A_55, %dma_start3A_56] : memref<16x125xi32, #tpu.memory_space<vmem>> -> memref<1x125xi32, #tpu.memory_space<vmem>>
        %dma_start3A_58 = tpu.memref_squeeze %dma_start3A_57 : memref<1x125xi32, #tpu.memory_space<vmem>> -> memref<125xi32, #tpu.memory_space<vmem>>
        %dma_start3A_59 = arith.constant 0 : i32
        %dma_start3A_60 = arith.constant 0 : i32
        %dma_start3A_61 = tpu.memref_slice %arg2[%dma_start3A_59, %dma_start3A_60] : memref<10112x64xf32, #tpu.memory_space<hbm>> -> memref<10112x64xf32, #tpu.memory_space<hbm>>
        tpu.enqueue_indirect_dma source(%dma_start3A_61 : memref<10112x64xf32, #tpu.memory_space<hbm>>) target(%arg9 : memref<125x64xf32, #tpu.memory_space<vmem>>) offsets(%dma_start3A_58 : memref<125xi32, #tpu.memory_space<vmem>>) semaphore(%arg14 : memref<!tpu.dma_semaphore, #tpu.memory_space<semaphore_mem>>)
        %dma_start3A_62 = arith.constant 1 : i32
        %dma_start3A_63 = arith.constant 0 : i32
        %dma_start3A_64 = tpu.memref_slice %arg7[%dma_start3A_62, %dma_start3A_63] : memref<16x125xi32, #tpu.memory_space<vmem>> -> memref<1x125xi32, #tpu.memory_space<vmem>>
        %dma_start3A_65 = tpu.memref_squeeze %dma_start3A_64 : memref<1x125xi32, #tpu.memory_space<vmem>> -> memref<125xi32, #tpu.memory_space<vmem>>
        %dma_start3A_66 = arith.constant 0 : i32
        %dma_start3A_67 = arith.constant 0 : i32
        %dma_start3A_68 = tpu.memref_slice %arg2[%dma_start3A_66, %dma_start3A_67] : memref<10112x64xf32, #tpu.memory_space<hbm>> -> memref<10112x64xf32, #tpu.memory_space<hbm>>
        tpu.enqueue_indirect_dma source(%dma_start3A_68 : memref<10112x64xf32, #tpu.memory_space<hbm>>) target(%arg10 : memref<125x64xf32, #tpu.memory_space<vmem>>) offsets(%dma_start3A_65 : memref<125xi32, #tpu.memory_space<vmem>>) semaphore(%arg15 : memref<!tpu.dma_semaphore, #tpu.memory_space<semaphore_mem>>)
        %dma_start3A_69 = arith.constant 2 : i32
        %dma_start3A_70 = arith.constant 0 : i32
        %dma_start3A_71 = tpu.memref_slice %arg7[%dma_start3A_69, %dma_start3A_70] : memref<16x125xi32, #tpu.memory_space<vmem>> -> memref<1x125xi32, #tpu.memory_space<vmem>>
        %dma_start3A_72 = tpu.memref_squeeze %dma_start3A_71 : memref<1x125xi32, #tpu.memory_space<vmem>> -> memref<125xi32, #tpu.memory_space<vmem>>
        %dma_start3A_73 = arith.constant 0 : i32
        %dma_start3A_74 = arith.constant 0 : i32
        %dma_start3A_75 = tpu.memref_slice %arg2[%dma_start3A_73, %dma_start3A_74] : memref<10112x64xf32, #tpu.memory_space<hbm>> -> memref<10112x64xf32, #tpu.memory_space<hbm>>
        tpu.enqueue_indirect_dma source(%dma_start3A_75 : memref<10112x64xf32, #tpu.memory_space<hbm>>) target(%arg11 : memref<125x64xf32, #tpu.memory_space<vmem>>) offsets(%dma_start3A_72 : memref<125xi32, #tpu.memory_space<vmem>>) semaphore(%arg16 : memref<!tpu.dma_semaphore, #tpu.memory_space<semaphore_mem>>)
        %dma_start3A_76 = arith.constant 3 : i32
        %dma_start3A_77 = arith.constant 0 : i32
        %dma_start3A_78 = tpu.memref_slice %arg7[%dma_start3A_76, %dma_start3A_77] : memref<16x125xi32, #tpu.memory_space<vmem>> -> memref<1x125xi32, #tpu.memory_space<vmem>>
        %dma_start3A_79 = tpu.memref_squeeze %dma_start3A_78 : memref<1x125xi32, #tpu.memory_space<vmem>> -> memref<125xi32, #tpu.memory_space<vmem>>
        %dma_start3A_80 = arith.constant 0 : i32
        %dma_start3A_81 = arith.constant 0 : i32
        %dma_start3A_82 = tpu.memref_slice %arg2[%dma_start3A_80, %dma_start3A_81] : memref<10112x64xf32, #tpu.memory_space<hbm>> -> memref<10112x64xf32, #tpu.memory_space<hbm>>
        tpu.enqueue_indirect_dma source(%dma_start3A_82 : memref<10112x64xf32, #tpu.memory_space<hbm>>) target(%arg12 : memref<125x64xf32, #tpu.memory_space<vmem>>) offsets(%dma_start3A_79 : memref<125xi32, #tpu.memory_space<vmem>>) semaphore(%arg17 : memref<!tpu.dma_semaphore, #tpu.memory_space<semaphore_mem>>)
      } else {
      }
    }
    %scan3A_33 = arith.constant 5 : i32
    %barrier3A_34 = arith.constant 0 : index
    tpu.barrier barrier_id(%barrier3A_34)
    %mul3A_35 = arith.constant 632 : i32
    %mul3A_36 = arith.muli %arg1, %mul3A_35 : i32
    "tpu.region"() ({
      %run_scoped3A = tpu.sem_alloc : memref<!tpu.dma_semaphore, #tpu.memory_space<semaphore_mem>>
      %dma_start3A_37 = arith.constant 0 : i32
      %dma_start3A_38 = tpu.memref_slice %arg6[%arg0, %mul3A_36, %dma_start3A_37] : memref<2x10112x64xf32, #tpu.memory_space<hbm>> -> memref<1x632x64xf32, #tpu.memory_space<hbm>>
      %dma_start3A_39 = tpu.memref_squeeze %dma_start3A_38 : memref<1x632x64xf32, #tpu.memory_space<hbm>> -> memref<632x64xf32, #tpu.memory_space<hbm>>
      %dma_start3A_40 = arith.constant 0 : i32
      %dma_start3A_41 = tpu.memref_slice %arg13[%mul3A_36, %dma_start3A_40] : memref<10112x64xf32, #tpu.memory_space<vmem_shared>> -> memref<632x64xf32, #tpu.memory_space<vmem_shared>>
      tpu.enqueue_dma source(%dma_start3A_41 : memref<632x64xf32, #tpu.memory_space<vmem_shared>>) target(%dma_start3A_39 : memref<632x64xf32, #tpu.memory_space<hbm>>) target_semaphore(%run_scoped3A : memref<!tpu.dma_semaphore, #tpu.memory_space<semaphore_mem>>)
      %dma_wait3A = arith.constant 0 : i32
      %dma_wait3A_42 = tpu.memref_slice %arg6[%arg0, %mul3A_36, %dma_wait3A] : memref<2x10112x64xf32, #tpu.memory_space<hbm>> -> memref<1x632x64xf32, #tpu.memory_space<hbm>>
      %dma_wait3A_43 = tpu.memref_squeeze %dma_wait3A_42 : memref<1x632x64xf32, #tpu.memory_space<hbm>> -> memref<632x64xf32, #tpu.memory_space<hbm>>
      %dma_wait3A_44 = arith.constant 0 : i32
      %dma_wait3A_45 = tpu.memref_slice %arg13[%mul3A_36, %dma_wait3A_44] : memref<10112x64xf32, #tpu.memory_space<vmem_shared>> -> memref<632x64xf32, #tpu.memory_space<vmem_shared>>
      tpu.wait_dma2 semaphore(%run_scoped3A : memref<!tpu.dma_semaphore, #tpu.memory_space<semaphore_mem>>) src(%dma_wait3A_45 : memref<632x64xf32, #tpu.memory_space<vmem_shared>>) dst(%dma_wait3A_43 : memref<632x64xf32, #tpu.memory_space<hbm>>)
      tpu.yield
    }) : () -> ()
    return
  }
}

#map = affine_map<(d0, d1) -> (0, 0, 0)>
#map1 = affine_map<(d0, d1) -> (0, 0)>
module attributes {stable_mosaic.version = 14 : i64} {
  func.func @deg_kernel(%arg0: i32, %arg1: i32, %arg2: memref<32x80x125xi32, #tpu.memory_space<hbm>>, %arg3: memref<632x8xf32, #tpu.memory_space<hbm>>, %arg4: memref<125x8xf32, #tpu.memory_space<hbm>>, %arg5: memref<2x10112x8xf32, #tpu.memory_space<hbm>>, %arg6: memref<16x125xi32, #tpu.memory_space<vmem>>, %arg7: memref<125x8xf32, #tpu.memory_space<vmem>>, %arg8: memref<10112x8xf32, #tpu.memory_space<vmem_shared>>, %arg9: memref<!tpu.dma_semaphore, #tpu.memory_space<semaphore_mem>>, %arg10: memref<!tpu.dma_semaphore, #tpu.memory_space<semaphore_mem>>) attributes {dimension_semantics = [#tpu.dimension_semantics<core_parallel>, #tpu.dimension_semantics<subcore_parallel>], iteration_bounds = array<i64: 2, 16>, scalar_prefetch = 0 : i64, scratch_operands = 5 : i64, tpu.core_type = #tpu.core_type<sc_vector_subcore>, window_params = [{transform_indices = #map}, {transform_indices = #map1}, {transform_indices = #map1}, {transform_indices = #map}]} {
    %mul3A = arith.constant 16 : i32
    %mul3A_0 = arith.muli %arg0, %mul3A : i32
    %add3A = arith.addi %mul3A_0, %arg1 : i32
    %mul3A_1 = arith.constant 632 : i32
    %mul3A_2 = arith.muli %arg1, %mul3A_1 : i32
    "tpu.region"() ({
      %run_scoped3A = tpu.sem_alloc : memref<!tpu.dma_semaphore, #tpu.memory_space<semaphore_mem>>
      %dma_start3A = arith.constant 0 : i32
      %dma_start3A_10 = tpu.memref_slice %arg8[%mul3A_2, %dma_start3A] : memref<10112x8xf32, #tpu.memory_space<vmem_shared>> -> memref<632x8xf32, #tpu.memory_space<vmem_shared>>
      tpu.enqueue_dma source(%arg3 : memref<632x8xf32, #tpu.memory_space<hbm>>) target(%dma_start3A_10 : memref<632x8xf32, #tpu.memory_space<vmem_shared>>) target_semaphore(%run_scoped3A : memref<!tpu.dma_semaphore, #tpu.memory_space<semaphore_mem>>)
      %dma_wait3A = arith.constant 0 : i32
      %dma_wait3A_11 = tpu.memref_slice %arg8[%mul3A_2, %dma_wait3A] : memref<10112x8xf32, #tpu.memory_space<vmem_shared>> -> memref<632x8xf32, #tpu.memory_space<vmem_shared>>
      tpu.wait_dma2 semaphore(%run_scoped3A : memref<!tpu.dma_semaphore, #tpu.memory_space<semaphore_mem>>) src(%arg3 : memref<632x8xf32, #tpu.memory_space<hbm>>) dst(%dma_wait3A_11 : memref<632x8xf32, #tpu.memory_space<vmem_shared>>)
      tpu.yield
    }) : () -> ()
    "tpu.region"() ({
      %run_scoped3A = tpu.sem_alloc : memref<!tpu.dma_semaphore, #tpu.memory_space<semaphore_mem>>
      tpu.enqueue_dma source(%arg4 : memref<125x8xf32, #tpu.memory_space<hbm>>) target(%arg7 : memref<125x8xf32, #tpu.memory_space<vmem>>) target_semaphore(%run_scoped3A : memref<!tpu.dma_semaphore, #tpu.memory_space<semaphore_mem>>)
      tpu.wait_dma2 semaphore(%run_scoped3A : memref<!tpu.dma_semaphore, #tpu.memory_space<semaphore_mem>>) src(%arg4 : memref<125x8xf32, #tpu.memory_space<hbm>>) dst(%arg7 : memref<125x8xf32, #tpu.memory_space<vmem>>)
      tpu.yield
    }) : () -> ()
    %barrier3A = arith.constant 0 : index
    tpu.barrier barrier_id(%barrier3A)
    %scan3A = arith.constant 0 : i32
    %scan3A_3 = arith.constant 5 : i32
    %scan3A_4 = arith.addi %scan3A, %scan3A_3 : i32
    %scan3A_5 = arith.constant 1 : i32
    scf.for %scan3A_10 = %scan3A to %scan3A_4 step %scan3A_5  : i32 {
      %mul3A_11 = arith.constant 1 : i32
      %mul3A_12 = arith.muli %scan3A_10, %mul3A_11 : i32
      %add3A_13 = arith.constant 0 : i32
      %add3A_14 = arith.addi %add3A_13, %mul3A_12 : i32
      %mul3A_15 = arith.constant 16 : i32
      %mul3A_16 = arith.muli %add3A_14, %mul3A_15 : i32
      "tpu.region"() ({
        %run_scoped3A = tpu.sem_alloc : memref<!tpu.dma_semaphore, #tpu.memory_space<semaphore_mem>>
        %dma_start3A = arith.constant 0 : i32
        %dma_start3A_22 = tpu.memref_slice %arg2[%add3A, %mul3A_16, %dma_start3A] : memref<32x80x125xi32, #tpu.memory_space<hbm>> -> memref<1x16x125xi32, #tpu.memory_space<hbm>>
        %dma_start3A_23 = tpu.memref_squeeze %dma_start3A_22 : memref<1x16x125xi32, #tpu.memory_space<hbm>> -> memref<16x125xi32, #tpu.memory_space<hbm>>
        %dma_start3A_24 = arith.constant 0 : i32
        %dma_start3A_25 = tpu.memref_slice %arg2[%add3A, %mul3A_16, %dma_start3A_24] : memref<32x80x125xi32, #tpu.memory_space<hbm>> -> memref<1x16x125xi32, #tpu.memory_space<hbm>>
        %dma_start3A_26 = tpu.memref_squeeze %dma_start3A_25 : memref<1x16x125xi32, #tpu.memory_space<hbm>> -> memref<16x125xi32, #tpu.memory_space<hbm>>
        tpu.enqueue_dma source(%dma_start3A_26 : memref<16x125xi32, #tpu.memory_space<hbm>>) target(%arg6 : memref<16x125xi32, #tpu.memory_space<vmem>>) target_semaphore(%run_scoped3A : memref<!tpu.dma_semaphore, #tpu.memory_space<semaphore_mem>>)
        %dma_wait3A = arith.constant 0 : i32
        %dma_wait3A_27 = tpu.memref_slice %arg2[%add3A, %mul3A_16, %dma_wait3A] : memref<32x80x125xi32, #tpu.memory_space<hbm>> -> memref<1x16x125xi32, #tpu.memory_space<hbm>>
        %dma_wait3A_28 = tpu.memref_squeeze %dma_wait3A_27 : memref<1x16x125xi32, #tpu.memory_space<hbm>> -> memref<16x125xi32, #tpu.memory_space<hbm>>
        %dma_wait3A_29 = arith.constant 0 : i32
        %dma_wait3A_30 = tpu.memref_slice %arg2[%add3A, %mul3A_16, %dma_wait3A_29] : memref<32x80x125xi32, #tpu.memory_space<hbm>> -> memref<1x16x125xi32, #tpu.memory_space<hbm>>
        %dma_wait3A_31 = tpu.memref_squeeze %dma_wait3A_30 : memref<1x16x125xi32, #tpu.memory_space<hbm>> -> memref<16x125xi32, #tpu.memory_space<hbm>>
        tpu.wait_dma2 semaphore(%run_scoped3A : memref<!tpu.dma_semaphore, #tpu.memory_space<semaphore_mem>>) src(%dma_wait3A_31 : memref<16x125xi32, #tpu.memory_space<hbm>>) dst(%arg6 : memref<16x125xi32, #tpu.memory_space<vmem>>)
        tpu.yield
      }) : () -> ()
      %scan3A_17 = arith.constant 0 : i32
      %scan3A_18 = arith.constant 8 : i32
      %scan3A_19 = arith.addi %scan3A_17, %scan3A_18 : i32
      %scan3A_20 = arith.constant 1 : i32
      scf.for %scan3A_22 = %scan3A_17 to %scan3A_19 step %scan3A_20  : i32 {
        %mul3A_23 = arith.constant 2 : i32
        %mul3A_24 = arith.muli %scan3A_22, %mul3A_23 : i32
        %add3A_25 = arith.constant 0 : i32
        %add3A_26 = arith.addi %add3A_25, %mul3A_24 : i32
        %dma_start3A = arith.constant 0 : i32
        %dma_start3A_27 = tpu.memref_slice %arg6[%add3A_26, %dma_start3A] : memref<16x125xi32, #tpu.memory_space<vmem>> -> memref<1x125xi32, #tpu.memory_space<vmem>>
        %dma_start3A_28 = tpu.memref_squeeze %dma_start3A_27 : memref<1x125xi32, #tpu.memory_space<vmem>> -> memref<125xi32, #tpu.memory_space<vmem>>
        %dma_start3A_29 = arith.constant 0 : i32
        %dma_start3A_30 = arith.constant 0 : i32
        %dma_start3A_31 = tpu.memref_slice %arg8[%dma_start3A_29, %dma_start3A_30] : memref<10112x8xf32, #tpu.memory_space<vmem_shared>> -> memref<10112x8xf32, #tpu.memory_space<vmem_shared>>
        tpu.enqueue_indirect_dma source(%arg7 : memref<125x8xf32, #tpu.memory_space<vmem>>) target(%dma_start3A_31 : memref<10112x8xf32, #tpu.memory_space<vmem_shared>>) offsets(%dma_start3A_28 : memref<125xi32, #tpu.memory_space<vmem>>) semaphore(%arg9 : memref<!tpu.dma_semaphore, #tpu.memory_space<semaphore_mem>>) {add = true}
        %add3A_32 = arith.constant 1 : i32
        %add3A_33 = arith.addi %add3A_26, %add3A_32 : i32
        %dma_start3A_34 = arith.constant 0 : i32
        %dma_start3A_35 = tpu.memref_slice %arg6[%add3A_33, %dma_start3A_34] : memref<16x125xi32, #tpu.memory_space<vmem>> -> memref<1x125xi32, #tpu.memory_space<vmem>>
        %dma_start3A_36 = tpu.memref_squeeze %dma_start3A_35 : memref<1x125xi32, #tpu.memory_space<vmem>> -> memref<125xi32, #tpu.memory_space<vmem>>
        %dma_start3A_37 = arith.constant 0 : i32
        %dma_start3A_38 = arith.constant 0 : i32
        %dma_start3A_39 = tpu.memref_slice %arg8[%dma_start3A_37, %dma_start3A_38] : memref<10112x8xf32, #tpu.memory_space<vmem_shared>> -> memref<10112x8xf32, #tpu.memory_space<vmem_shared>>
        tpu.enqueue_indirect_dma source(%arg7 : memref<125x8xf32, #tpu.memory_space<vmem>>) target(%dma_start3A_39 : memref<10112x8xf32, #tpu.memory_space<vmem_shared>>) offsets(%dma_start3A_36 : memref<125xi32, #tpu.memory_space<vmem>>) semaphore(%arg10 : memref<!tpu.dma_semaphore, #tpu.memory_space<semaphore_mem>>) {add = true}
        %dma_wait3A = arith.constant 0 : i32
        %dma_wait3A_40 = tpu.memref_slice %arg6[%add3A_26, %dma_wait3A] : memref<16x125xi32, #tpu.memory_space<vmem>> -> memref<1x125xi32, #tpu.memory_space<vmem>>
        %dma_wait3A_41 = tpu.memref_squeeze %dma_wait3A_40 : memref<1x125xi32, #tpu.memory_space<vmem>> -> memref<125xi32, #tpu.memory_space<vmem>>
        %dma_wait3A_42 = arith.constant 0 : i32
        %dma_wait3A_43 = arith.constant 0 : i32
        %dma_wait3A_44 = tpu.memref_slice %arg8[%dma_wait3A_42, %dma_wait3A_43] : memref<10112x8xf32, #tpu.memory_space<vmem_shared>> -> memref<10112x8xf32, #tpu.memory_space<vmem_shared>>
        tpu.wait_indirect_dma semaphore(%arg9 : memref<!tpu.dma_semaphore, #tpu.memory_space<semaphore_mem>>) src(%arg7 : memref<125x8xf32, #tpu.memory_space<vmem>>) dst(%dma_wait3A_44 : memref<10112x8xf32, #tpu.memory_space<vmem_shared>>)
        %dma_wait3A_45 = arith.constant 0 : i32
        %dma_wait3A_46 = tpu.memref_slice %arg6[%add3A_33, %dma_wait3A_45] : memref<16x125xi32, #tpu.memory_space<vmem>> -> memref<1x125xi32, #tpu.memory_space<vmem>>
        %dma_wait3A_47 = tpu.memref_squeeze %dma_wait3A_46 : memref<1x125xi32, #tpu.memory_space<vmem>> -> memref<125xi32, #tpu.memory_space<vmem>>
        %dma_wait3A_48 = arith.constant 0 : i32
        %dma_wait3A_49 = arith.constant 0 : i32
        %dma_wait3A_50 = tpu.memref_slice %arg8[%dma_wait3A_48, %dma_wait3A_49] : memref<10112x8xf32, #tpu.memory_space<vmem_shared>> -> memref<10112x8xf32, #tpu.memory_space<vmem_shared>>
        tpu.wait_indirect_dma semaphore(%arg10 : memref<!tpu.dma_semaphore, #tpu.memory_space<semaphore_mem>>) src(%arg7 : memref<125x8xf32, #tpu.memory_space<vmem>>) dst(%dma_wait3A_50 : memref<10112x8xf32, #tpu.memory_space<vmem_shared>>)
      }
      %scan3A_21 = arith.constant 8 : i32
    }
    %scan3A_6 = arith.constant 5 : i32
    %barrier3A_7 = arith.constant 0 : index
    tpu.barrier barrier_id(%barrier3A_7)
    %mul3A_8 = arith.constant 632 : i32
    %mul3A_9 = arith.muli %arg1, %mul3A_8 : i32
    "tpu.region"() ({
      %run_scoped3A = tpu.sem_alloc : memref<!tpu.dma_semaphore, #tpu.memory_space<semaphore_mem>>
      %dma_start3A = arith.constant 0 : i32
      %dma_start3A_10 = tpu.memref_slice %arg5[%arg0, %mul3A_9, %dma_start3A] : memref<2x10112x8xf32, #tpu.memory_space<hbm>> -> memref<1x632x8xf32, #tpu.memory_space<hbm>>
      %dma_start3A_11 = tpu.memref_squeeze %dma_start3A_10 : memref<1x632x8xf32, #tpu.memory_space<hbm>> -> memref<632x8xf32, #tpu.memory_space<hbm>>
      %dma_start3A_12 = arith.constant 0 : i32
      %dma_start3A_13 = tpu.memref_slice %arg8[%mul3A_9, %dma_start3A_12] : memref<10112x8xf32, #tpu.memory_space<vmem_shared>> -> memref<632x8xf32, #tpu.memory_space<vmem_shared>>
      tpu.enqueue_dma source(%dma_start3A_13 : memref<632x8xf32, #tpu.memory_space<vmem_shared>>) target(%dma_start3A_11 : memref<632x8xf32, #tpu.memory_space<hbm>>) target_semaphore(%run_scoped3A : memref<!tpu.dma_semaphore, #tpu.memory_space<semaphore_mem>>)
      %dma_wait3A = arith.constant 0 : i32
      %dma_wait3A_14 = tpu.memref_slice %arg5[%arg0, %mul3A_9, %dma_wait3A] : memref<2x10112x8xf32, #tpu.memory_space<hbm>> -> memref<1x632x8xf32, #tpu.memory_space<hbm>>
      %dma_wait3A_15 = tpu.memref_squeeze %dma_wait3A_14 : memref<1x632x8xf32, #tpu.memory_space<hbm>> -> memref<632x8xf32, #tpu.memory_space<hbm>>
      %dma_wait3A_16 = arith.constant 0 : i32
      %dma_wait3A_17 = tpu.memref_slice %arg8[%mul3A_9, %dma_wait3A_16] : memref<10112x8xf32, #tpu.memory_space<vmem_shared>> -> memref<632x8xf32, #tpu.memory_space<vmem_shared>>
      tpu.wait_dma2 semaphore(%run_scoped3A : memref<!tpu.dma_semaphore, #tpu.memory_space<semaphore_mem>>) src(%dma_wait3A_17 : memref<632x8xf32, #tpu.memory_space<vmem_shared>>) dst(%dma_wait3A_15 : memref<632x8xf32, #tpu.memory_space<hbm>>)
      tpu.yield
    }) : () -> ()
    return
  }
}

#map = affine_map<(d0, d1) -> (0, 0)>
#map1 = affine_map<(d0, d1) -> (0, 0, 0)>
module attributes {stable_mosaic.version = 14 : i64} {
  func.func @seg_kernel(%arg0: i32, %arg1: i32, %arg2: memref<10112x128xf32, #tpu.memory_space<hbm>>, %arg3: memref<32x80x125xi32, #tpu.memory_space<hbm>>, %arg4: memref<32x80x125xi32, #tpu.memory_space<hbm>>, %arg5: memref<632x128xf32, #tpu.memory_space<hbm>>, %arg6: memref<2x10112x128xf32, #tpu.memory_space<hbm>>, %arg7: memref<16x125xi32, #tpu.memory_space<vmem>>, %arg8: memref<16x125xi32, #tpu.memory_space<vmem>>, %arg9: memref<125x128xf32, #tpu.memory_space<vmem>>, %arg10: memref<125x128xf32, #tpu.memory_space<vmem>>, %arg11: memref<10112x128xf32, #tpu.memory_space<vmem_shared>>, %arg12: memref<!tpu.dma_semaphore, #tpu.memory_space<semaphore_mem>>, %arg13: memref<!tpu.dma_semaphore, #tpu.memory_space<semaphore_mem>>) attributes {dimension_semantics = [#tpu.dimension_semantics<core_parallel>, #tpu.dimension_semantics<subcore_parallel>], iteration_bounds = array<i64: 2, 16>, scalar_prefetch = 0 : i64, scratch_operands = 7 : i64, tpu.core_type = #tpu.core_type<sc_vector_subcore>, window_params = [{transform_indices = #map}, {transform_indices = #map1}, {transform_indices = #map1}, {transform_indices = #map}, {transform_indices = #map1}]} {
    %mul3A = arith.constant 16 : i32
    %mul3A_0 = arith.muli %arg0, %mul3A : i32
    %add3A = arith.addi %mul3A_0, %arg1 : i32
    %mul3A_1 = arith.constant 632 : i32
    %mul3A_2 = arith.muli %arg1, %mul3A_1 : i32
    "tpu.region"() ({
      %run_scoped3A = tpu.sem_alloc : memref<!tpu.dma_semaphore, #tpu.memory_space<semaphore_mem>>
      %dma_start3A_23 = arith.constant 0 : i32
      %dma_start3A_24 = tpu.memref_slice %arg11[%mul3A_2, %dma_start3A_23] : memref<10112x128xf32, #tpu.memory_space<vmem_shared>> -> memref<632x128xf32, #tpu.memory_space<vmem_shared>>
      tpu.enqueue_dma source(%arg5 : memref<632x128xf32, #tpu.memory_space<hbm>>) target(%dma_start3A_24 : memref<632x128xf32, #tpu.memory_space<vmem_shared>>) target_semaphore(%run_scoped3A : memref<!tpu.dma_semaphore, #tpu.memory_space<semaphore_mem>>)
      %dma_wait3A = arith.constant 0 : i32
      %dma_wait3A_25 = tpu.memref_slice %arg11[%mul3A_2, %dma_wait3A] : memref<10112x128xf32, #tpu.memory_space<vmem_shared>> -> memref<632x128xf32, #tpu.memory_space<vmem_shared>>
      tpu.wait_dma2 semaphore(%run_scoped3A : memref<!tpu.dma_semaphore, #tpu.memory_space<semaphore_mem>>) src(%arg5 : memref<632x128xf32, #tpu.memory_space<hbm>>) dst(%dma_wait3A_25 : memref<632x128xf32, #tpu.memory_space<vmem_shared>>)
      tpu.yield
    }) : () -> ()
    %barrier3A = arith.constant 0 : index
    tpu.barrier barrier_id(%barrier3A)
    "tpu.region"() ({
      %run_scoped3A = tpu.sem_alloc : memref<!tpu.dma_semaphore, #tpu.memory_space<semaphore_mem>>
      %dma_start3A_23 = arith.constant 0 : i32
      %dma_start3A_24 = arith.constant 0 : i32
      %dma_start3A_25 = tpu.memref_slice %arg3[%add3A, %dma_start3A_23, %dma_start3A_24] : memref<32x80x125xi32, #tpu.memory_space<hbm>> -> memref<1x16x125xi32, #tpu.memory_space<hbm>>
      %dma_start3A_26 = tpu.memref_squeeze %dma_start3A_25 : memref<1x16x125xi32, #tpu.memory_space<hbm>> -> memref<16x125xi32, #tpu.memory_space<hbm>>
      %dma_start3A_27 = arith.constant 0 : i32
      %dma_start3A_28 = arith.constant 0 : i32
      %dma_start3A_29 = tpu.memref_slice %arg3[%add3A, %dma_start3A_27, %dma_start3A_28] : memref<32x80x125xi32, #tpu.memory_space<hbm>> -> memref<1x16x125xi32, #tpu.memory_space<hbm>>
      %dma_start3A_30 = tpu.memref_squeeze %dma_start3A_29 : memref<1x16x125xi32, #tpu.memory_space<hbm>> -> memref<16x125xi32, #tpu.memory_space<hbm>>
      tpu.enqueue_dma source(%dma_start3A_30 : memref<16x125xi32, #tpu.memory_space<hbm>>) target(%arg7 : memref<16x125xi32, #tpu.memory_space<vmem>>) target_semaphore(%run_scoped3A : memref<!tpu.dma_semaphore, #tpu.memory_space<semaphore_mem>>)
      %dma_wait3A = arith.constant 0 : i32
      %dma_wait3A_31 = arith.constant 0 : i32
      %dma_wait3A_32 = tpu.memref_slice %arg3[%add3A, %dma_wait3A, %dma_wait3A_31] : memref<32x80x125xi32, #tpu.memory_space<hbm>> -> memref<1x16x125xi32, #tpu.memory_space<hbm>>
      %dma_wait3A_33 = tpu.memref_squeeze %dma_wait3A_32 : memref<1x16x125xi32, #tpu.memory_space<hbm>> -> memref<16x125xi32, #tpu.memory_space<hbm>>
      %dma_wait3A_34 = arith.constant 0 : i32
      %dma_wait3A_35 = arith.constant 0 : i32
      %dma_wait3A_36 = tpu.memref_slice %arg3[%add3A, %dma_wait3A_34, %dma_wait3A_35] : memref<32x80x125xi32, #tpu.memory_space<hbm>> -> memref<1x16x125xi32, #tpu.memory_space<hbm>>
      %dma_wait3A_37 = tpu.memref_squeeze %dma_wait3A_36 : memref<1x16x125xi32, #tpu.memory_space<hbm>> -> memref<16x125xi32, #tpu.memory_space<hbm>>
      tpu.wait_dma2 semaphore(%run_scoped3A : memref<!tpu.dma_semaphore, #tpu.memory_space<semaphore_mem>>) src(%dma_wait3A_37 : memref<16x125xi32, #tpu.memory_space<hbm>>) dst(%arg7 : memref<16x125xi32, #tpu.memory_space<vmem>>)
      tpu.yield
    }) : () -> ()
    "tpu.region"() ({
      %run_scoped3A = tpu.sem_alloc : memref<!tpu.dma_semaphore, #tpu.memory_space<semaphore_mem>>
      %dma_start3A_23 = arith.constant 0 : i32
      %dma_start3A_24 = arith.constant 0 : i32
      %dma_start3A_25 = tpu.memref_slice %arg4[%add3A, %dma_start3A_23, %dma_start3A_24] : memref<32x80x125xi32, #tpu.memory_space<hbm>> -> memref<1x16x125xi32, #tpu.memory_space<hbm>>
      %dma_start3A_26 = tpu.memref_squeeze %dma_start3A_25 : memref<1x16x125xi32, #tpu.memory_space<hbm>> -> memref<16x125xi32, #tpu.memory_space<hbm>>
      %dma_start3A_27 = arith.constant 0 : i32
      %dma_start3A_28 = arith.constant 0 : i32
      %dma_start3A_29 = tpu.memref_slice %arg4[%add3A, %dma_start3A_27, %dma_start3A_28] : memref<32x80x125xi32, #tpu.memory_space<hbm>> -> memref<1x16x125xi32, #tpu.memory_space<hbm>>
      %dma_start3A_30 = tpu.memref_squeeze %dma_start3A_29 : memref<1x16x125xi32, #tpu.memory_space<hbm>> -> memref<16x125xi32, #tpu.memory_space<hbm>>
      tpu.enqueue_dma source(%dma_start3A_30 : memref<16x125xi32, #tpu.memory_space<hbm>>) target(%arg8 : memref<16x125xi32, #tpu.memory_space<vmem>>) target_semaphore(%run_scoped3A : memref<!tpu.dma_semaphore, #tpu.memory_space<semaphore_mem>>)
      %dma_wait3A = arith.constant 0 : i32
      %dma_wait3A_31 = arith.constant 0 : i32
      %dma_wait3A_32 = tpu.memref_slice %arg4[%add3A, %dma_wait3A, %dma_wait3A_31] : memref<32x80x125xi32, #tpu.memory_space<hbm>> -> memref<1x16x125xi32, #tpu.memory_space<hbm>>
      %dma_wait3A_33 = tpu.memref_squeeze %dma_wait3A_32 : memref<1x16x125xi32, #tpu.memory_space<hbm>> -> memref<16x125xi32, #tpu.memory_space<hbm>>
      %dma_wait3A_34 = arith.constant 0 : i32
      %dma_wait3A_35 = arith.constant 0 : i32
      %dma_wait3A_36 = tpu.memref_slice %arg4[%add3A, %dma_wait3A_34, %dma_wait3A_35] : memref<32x80x125xi32, #tpu.memory_space<hbm>> -> memref<1x16x125xi32, #tpu.memory_space<hbm>>
      %dma_wait3A_37 = tpu.memref_squeeze %dma_wait3A_36 : memref<1x16x125xi32, #tpu.memory_space<hbm>> -> memref<16x125xi32, #tpu.memory_space<hbm>>
      tpu.wait_dma2 semaphore(%run_scoped3A : memref<!tpu.dma_semaphore, #tpu.memory_space<semaphore_mem>>) src(%dma_wait3A_37 : memref<16x125xi32, #tpu.memory_space<hbm>>) dst(%arg8 : memref<16x125xi32, #tpu.memory_space<vmem>>)
      tpu.yield
    }) : () -> ()
    %dma_start3A = arith.constant 0 : i32
    %dma_start3A_3 = arith.constant 0 : i32
    %dma_start3A_4 = tpu.memref_slice %arg7[%dma_start3A, %dma_start3A_3] : memref<16x125xi32, #tpu.memory_space<vmem>> -> memref<1x125xi32, #tpu.memory_space<vmem>>
    %dma_start3A_5 = tpu.memref_squeeze %dma_start3A_4 : memref<1x125xi32, #tpu.memory_space<vmem>> -> memref<125xi32, #tpu.memory_space<vmem>>
    %dma_start3A_6 = arith.constant 0 : i32
    %dma_start3A_7 = arith.constant 0 : i32
    %dma_start3A_8 = tpu.memref_slice %arg2[%dma_start3A_6, %dma_start3A_7] : memref<10112x128xf32, #tpu.memory_space<hbm>> -> memref<10112x128xf32, #tpu.memory_space<hbm>>
    tpu.enqueue_indirect_dma source(%dma_start3A_8 : memref<10112x128xf32, #tpu.memory_space<hbm>>) target(%arg9 : memref<125x128xf32, #tpu.memory_space<vmem>>) offsets(%dma_start3A_5 : memref<125xi32, #tpu.memory_space<vmem>>) semaphore(%arg12 : memref<!tpu.dma_semaphore, #tpu.memory_space<semaphore_mem>>)
    %dma_start3A_9 = arith.constant 1 : i32
    %dma_start3A_10 = arith.constant 0 : i32
    %dma_start3A_11 = tpu.memref_slice %arg7[%dma_start3A_9, %dma_start3A_10] : memref<16x125xi32, #tpu.memory_space<vmem>> -> memref<1x125xi32, #tpu.memory_space<vmem>>
    %dma_start3A_12 = tpu.memref_squeeze %dma_start3A_11 : memref<1x125xi32, #tpu.memory_space<vmem>> -> memref<125xi32, #tpu.memory_space<vmem>>
    %dma_start3A_13 = arith.constant 0 : i32
    %dma_start3A_14 = arith.constant 0 : i32
    %dma_start3A_15 = tpu.memref_slice %arg2[%dma_start3A_13, %dma_start3A_14] : memref<10112x128xf32, #tpu.memory_space<hbm>> -> memref<10112x128xf32, #tpu.memory_space<hbm>>
    tpu.enqueue_indirect_dma source(%dma_start3A_15 : memref<10112x128xf32, #tpu.memory_space<hbm>>) target(%arg10 : memref<125x128xf32, #tpu.memory_space<vmem>>) offsets(%dma_start3A_12 : memref<125xi32, #tpu.memory_space<vmem>>) semaphore(%arg13 : memref<!tpu.dma_semaphore, #tpu.memory_space<semaphore_mem>>)
    %scan3A = arith.constant 0 : i32
    %scan3A_16 = arith.constant 5 : i32
    %scan3A_17 = arith.addi %scan3A, %scan3A_16 : i32
    %scan3A_18 = arith.constant 1 : i32
    scf.for %scan3A_23 = %scan3A to %scan3A_17 step %scan3A_18  : i32 {
      %mul3A_24 = arith.constant 1 : i32
      %mul3A_25 = arith.muli %scan3A_23, %mul3A_24 : i32
      %add3A_26 = arith.constant 0 : i32
      %add3A_27 = arith.addi %add3A_26, %mul3A_25 : i32
      %scan3A_28 = arith.constant 0 : i32
      %scan3A_29 = arith.constant 8 : i32
      %scan3A_30 = arith.addi %scan3A_28, %scan3A_29 : i32
      %scan3A_31 = arith.constant 1 : i32
      scf.for %scan3A_35 = %scan3A_28 to %scan3A_30 step %scan3A_31  : i32 {
        %mul3A_36 = arith.constant 2 : i32
        %mul3A_37 = arith.muli %scan3A_35, %mul3A_36 : i32
        %add3A_38 = arith.constant 0 : i32
        %add3A_39 = arith.addi %add3A_38, %mul3A_37 : i32
        %add3A_40 = arith.constant 0 : i32
        %add3A_41 = arith.addi %add3A_39, %add3A_40 : i32
        %dma_wait3A = arith.constant 0 : i32
        %dma_wait3A_42 = tpu.memref_slice %arg7[%add3A_41, %dma_wait3A] : memref<16x125xi32, #tpu.memory_space<vmem>> -> memref<1x125xi32, #tpu.memory_space<vmem>>
        %dma_wait3A_43 = tpu.memref_squeeze %dma_wait3A_42 : memref<1x125xi32, #tpu.memory_space<vmem>> -> memref<125xi32, #tpu.memory_space<vmem>>
        %dma_wait3A_44 = arith.constant 0 : i32
        %dma_wait3A_45 = arith.constant 0 : i32
        %dma_wait3A_46 = tpu.memref_slice %arg2[%dma_wait3A_44, %dma_wait3A_45] : memref<10112x128xf32, #tpu.memory_space<hbm>> -> memref<10112x128xf32, #tpu.memory_space<hbm>>
        tpu.wait_indirect_dma semaphore(%arg12 : memref<!tpu.dma_semaphore, #tpu.memory_space<semaphore_mem>>) src(%dma_wait3A_46 : memref<10112x128xf32, #tpu.memory_space<hbm>>) dst(%arg9 : memref<125x128xf32, #tpu.memory_space<vmem>>)
        "tpu.region"() ({
          %run_scoped3A = tpu.sem_alloc : memref<!tpu.dma_semaphore, #tpu.memory_space<semaphore_mem>>
          %dma_start3A_65 = arith.constant 0 : i32
          %dma_start3A_66 = tpu.memref_slice %arg8[%add3A_41, %dma_start3A_65] : memref<16x125xi32, #tpu.memory_space<vmem>> -> memref<1x125xi32, #tpu.memory_space<vmem>>
          %dma_start3A_67 = tpu.memref_squeeze %dma_start3A_66 : memref<1x125xi32, #tpu.memory_space<vmem>> -> memref<125xi32, #tpu.memory_space<vmem>>
          %dma_start3A_68 = arith.constant 0 : i32
          %dma_start3A_69 = arith.constant 0 : i32
          %dma_start3A_70 = tpu.memref_slice %arg11[%dma_start3A_68, %dma_start3A_69] : memref<10112x128xf32, #tpu.memory_space<vmem_shared>> -> memref<10112x128xf32, #tpu.memory_space<vmem_shared>>
          tpu.enqueue_indirect_dma source(%arg9 : memref<125x128xf32, #tpu.memory_space<vmem>>) target(%dma_start3A_70 : memref<10112x128xf32, #tpu.memory_space<vmem_shared>>) offsets(%dma_start3A_67 : memref<125xi32, #tpu.memory_space<vmem>>) semaphore(%run_scoped3A : memref<!tpu.dma_semaphore, #tpu.memory_space<semaphore_mem>>) {add = true}
          %dma_wait3A_71 = arith.constant 0 : i32
          %dma_wait3A_72 = tpu.memref_slice %arg8[%add3A_41, %dma_wait3A_71] : memref<16x125xi32, #tpu.memory_space<vmem>> -> memref<1x125xi32, #tpu.memory_space<vmem>>
          %dma_wait3A_73 = tpu.memref_squeeze %dma_wait3A_72 : memref<1x125xi32, #tpu.memory_space<vmem>> -> memref<125xi32, #tpu.memory_space<vmem>>
          %dma_wait3A_74 = arith.constant 0 : i32
          %dma_wait3A_75 = arith.constant 0 : i32
          %dma_wait3A_76 = tpu.memref_slice %arg11[%dma_wait3A_74, %dma_wait3A_75] : memref<10112x128xf32, #tpu.memory_space<vmem_shared>> -> memref<10112x128xf32, #tpu.memory_space<vmem_shared>>
          tpu.wait_indirect_dma semaphore(%run_scoped3A : memref<!tpu.dma_semaphore, #tpu.memory_space<semaphore_mem>>) src(%arg9 : memref<125x128xf32, #tpu.memory_space<vmem>>) dst(%dma_wait3A_76 : memref<10112x128xf32, #tpu.memory_space<vmem_shared>>)
          tpu.yield
        }) : () -> ()
        %lt3A_47 = arith.constant 14 : i32
        %lt3A_48 = arith.cmpi slt, %add3A_41, %lt3A_47 : i32
        %convert_element_type3A_49 = arith.extui %lt3A_48 : i1 to i32
        %cond3A_50 = arith.constant 0 : i32
        %cond3A_51 = arith.cmpi ne, %convert_element_type3A_49, %cond3A_50 : i32
        scf.if %cond3A_51 {
          %add3A_65 = arith.constant 2 : i32
          %add3A_66 = arith.addi %add3A_41, %add3A_65 : i32
          %dma_start3A_67 = arith.constant 0 : i32
          %dma_start3A_68 = tpu.memref_slice %arg7[%add3A_66, %dma_start3A_67] : memref<16x125xi32, #tpu.memory_space<vmem>> -> memref<1x125xi32, #tpu.memory_space<vmem>>
          %dma_start3A_69 = tpu.memref_squeeze %dma_start3A_68 : memref<1x125xi32, #tpu.memory_space<vmem>> -> memref<125xi32, #tpu.memory_space<vmem>>
          %dma_start3A_70 = arith.constant 0 : i32
          %dma_start3A_71 = arith.constant 0 : i32
          %dma_start3A_72 = tpu.memref_slice %arg2[%dma_start3A_70, %dma_start3A_71] : memref<10112x128xf32, #tpu.memory_space<hbm>> -> memref<10112x128xf32, #tpu.memory_space<hbm>>
          tpu.enqueue_indirect_dma source(%dma_start3A_72 : memref<10112x128xf32, #tpu.memory_space<hbm>>) target(%arg9 : memref<125x128xf32, #tpu.memory_space<vmem>>) offsets(%dma_start3A_69 : memref<125xi32, #tpu.memory_space<vmem>>) semaphore(%arg12 : memref<!tpu.dma_semaphore, #tpu.memory_space<semaphore_mem>>)
        } else {
        }
        %add3A_52 = arith.constant 1 : i32
        %add3A_53 = arith.addi %add3A_39, %add3A_52 : i32
        %dma_wait3A_54 = arith.constant 0 : i32
        %dma_wait3A_55 = tpu.memref_slice %arg7[%add3A_53, %dma_wait3A_54] : memref<16x125xi32, #tpu.memory_space<vmem>> -> memref<1x125xi32, #tpu.memory_space<vmem>>
        %dma_wait3A_56 = tpu.memref_squeeze %dma_wait3A_55 : memref<1x125xi32, #tpu.memory_space<vmem>> -> memref<125xi32, #tpu.memory_space<vmem>>
        %dma_wait3A_57 = arith.constant 0 : i32
        %dma_wait3A_58 = arith.constant 0 : i32
        %dma_wait3A_59 = tpu.memref_slice %arg2[%dma_wait3A_57, %dma_wait3A_58] : memref<10112x128xf32, #tpu.memory_space<hbm>> -> memref<10112x128xf32, #tpu.memory_space<hbm>>
        tpu.wait_indirect_dma semaphore(%arg13 : memref<!tpu.dma_semaphore, #tpu.memory_space<semaphore_mem>>) src(%dma_wait3A_59 : memref<10112x128xf32, #tpu.memory_space<hbm>>) dst(%arg10 : memref<125x128xf32, #tpu.memory_space<vmem>>)
        "tpu.region"() ({
          %run_scoped3A = tpu.sem_alloc : memref<!tpu.dma_semaphore, #tpu.memory_space<semaphore_mem>>
          %dma_start3A_65 = arith.constant 0 : i32
          %dma_start3A_66 = tpu.memref_slice %arg8[%add3A_53, %dma_start3A_65] : memref<16x125xi32, #tpu.memory_space<vmem>> -> memref<1x125xi32, #tpu.memory_space<vmem>>
          %dma_start3A_67 = tpu.memref_squeeze %dma_start3A_66 : memref<1x125xi32, #tpu.memory_space<vmem>> -> memref<125xi32, #tpu.memory_space<vmem>>
          %dma_start3A_68 = arith.constant 0 : i32
          %dma_start3A_69 = arith.constant 0 : i32
          %dma_start3A_70 = tpu.memref_slice %arg11[%dma_start3A_68, %dma_start3A_69] : memref<10112x128xf32, #tpu.memory_space<vmem_shared>> -> memref<10112x128xf32, #tpu.memory_space<vmem_shared>>
          tpu.enqueue_indirect_dma source(%arg10 : memref<125x128xf32, #tpu.memory_space<vmem>>) target(%dma_start3A_70 : memref<10112x128xf32, #tpu.memory_space<vmem_shared>>) offsets(%dma_start3A_67 : memref<125xi32, #tpu.memory_space<vmem>>) semaphore(%run_scoped3A : memref<!tpu.dma_semaphore, #tpu.memory_space<semaphore_mem>>) {add = true}
          %dma_wait3A_71 = arith.constant 0 : i32
          %dma_wait3A_72 = tpu.memref_slice %arg8[%add3A_53, %dma_wait3A_71] : memref<16x125xi32, #tpu.memory_space<vmem>> -> memref<1x125xi32, #tpu.memory_space<vmem>>
          %dma_wait3A_73 = tpu.memref_squeeze %dma_wait3A_72 : memref<1x125xi32, #tpu.memory_space<vmem>> -> memref<125xi32, #tpu.memory_space<vmem>>
          %dma_wait3A_74 = arith.constant 0 : i32
          %dma_wait3A_75 = arith.constant 0 : i32
          %dma_wait3A_76 = tpu.memref_slice %arg11[%dma_wait3A_74, %dma_wait3A_75] : memref<10112x128xf32, #tpu.memory_space<vmem_shared>> -> memref<10112x128xf32, #tpu.memory_space<vmem_shared>>
          tpu.wait_indirect_dma semaphore(%run_scoped3A : memref<!tpu.dma_semaphore, #tpu.memory_space<semaphore_mem>>) src(%arg10 : memref<125x128xf32, #tpu.memory_space<vmem>>) dst(%dma_wait3A_76 : memref<10112x128xf32, #tpu.memory_space<vmem_shared>>)
          tpu.yield
        }) : () -> ()
        %lt3A_60 = arith.constant 14 : i32
        %lt3A_61 = arith.cmpi slt, %add3A_53, %lt3A_60 : i32
        %convert_element_type3A_62 = arith.extui %lt3A_61 : i1 to i32
        %cond3A_63 = arith.constant 0 : i32
        %cond3A_64 = arith.cmpi ne, %convert_element_type3A_62, %cond3A_63 : i32
        scf.if %cond3A_64 {
          %add3A_65 = arith.constant 2 : i32
          %add3A_66 = arith.addi %add3A_53, %add3A_65 : i32
          %dma_start3A_67 = arith.constant 0 : i32
          %dma_start3A_68 = tpu.memref_slice %arg7[%add3A_66, %dma_start3A_67] : memref<16x125xi32, #tpu.memory_space<vmem>> -> memref<1x125xi32, #tpu.memory_space<vmem>>
          %dma_start3A_69 = tpu.memref_squeeze %dma_start3A_68 : memref<1x125xi32, #tpu.memory_space<vmem>> -> memref<125xi32, #tpu.memory_space<vmem>>
          %dma_start3A_70 = arith.constant 0 : i32
          %dma_start3A_71 = arith.constant 0 : i32
          %dma_start3A_72 = tpu.memref_slice %arg2[%dma_start3A_70, %dma_start3A_71] : memref<10112x128xf32, #tpu.memory_space<hbm>> -> memref<10112x128xf32, #tpu.memory_space<hbm>>
          tpu.enqueue_indirect_dma source(%dma_start3A_72 : memref<10112x128xf32, #tpu.memory_space<hbm>>) target(%arg10 : memref<125x128xf32, #tpu.memory_space<vmem>>) offsets(%dma_start3A_69 : memref<125xi32, #tpu.memory_space<vmem>>) semaphore(%arg13 : memref<!tpu.dma_semaphore, #tpu.memory_space<semaphore_mem>>)
        } else {
        }
      }
      %scan3A_32 = arith.constant 8 : i32
      %lt3A = arith.constant 4 : i32
      %lt3A_33 = arith.cmpi slt, %add3A_27, %lt3A : i32
      %convert_element_type3A = arith.extui %lt3A_33 : i1 to i32
      %cond3A = arith.constant 0 : i32
      %cond3A_34 = arith.cmpi ne, %convert_element_type3A, %cond3A : i32
      scf.if %cond3A_34 {
        %add3A_35 = arith.constant 1 : i32
        %add3A_36 = arith.addi %add3A_27, %add3A_35 : i32
        %mul3A_37 = arith.constant 16 : i32
        %mul3A_38 = arith.muli %add3A_36, %mul3A_37 : i32
        "tpu.region"() ({
          %run_scoped3A = tpu.sem_alloc : memref<!tpu.dma_semaphore, #tpu.memory_space<semaphore_mem>>
          %dma_start3A_55 = arith.constant 0 : i32
          %dma_start3A_56 = tpu.memref_slice %arg3[%add3A, %mul3A_38, %dma_start3A_55] : memref<32x80x125xi32, #tpu.memory_space<hbm>> -> memref<1x16x125xi32, #tpu.memory_space<hbm>>
          %dma_start3A_57 = tpu.memref_squeeze %dma_start3A_56 : memref<1x16x125xi32, #tpu.memory_space<hbm>> -> memref<16x125xi32, #tpu.memory_space<hbm>>
          %dma_start3A_58 = arith.constant 0 : i32
          %dma_start3A_59 = tpu.memref_slice %arg3[%add3A, %mul3A_38, %dma_start3A_58] : memref<32x80x125xi32, #tpu.memory_space<hbm>> -> memref<1x16x125xi32, #tpu.memory_space<hbm>>
          %dma_start3A_60 = tpu.memref_squeeze %dma_start3A_59 : memref<1x16x125xi32, #tpu.memory_space<hbm>> -> memref<16x125xi32, #tpu.memory_space<hbm>>
          tpu.enqueue_dma source(%dma_start3A_60 : memref<16x125xi32, #tpu.memory_space<hbm>>) target(%arg7 : memref<16x125xi32, #tpu.memory_space<vmem>>) target_semaphore(%run_scoped3A : memref<!tpu.dma_semaphore, #tpu.memory_space<semaphore_mem>>)
          %dma_wait3A = arith.constant 0 : i32
          %dma_wait3A_61 = tpu.memref_slice %arg3[%add3A, %mul3A_38, %dma_wait3A] : memref<32x80x125xi32, #tpu.memory_space<hbm>> -> memref<1x16x125xi32, #tpu.memory_space<hbm>>
          %dma_wait3A_62 = tpu.memref_squeeze %dma_wait3A_61 : memref<1x16x125xi32, #tpu.memory_space<hbm>> -> memref<16x125xi32, #tpu.memory_space<hbm>>
          %dma_wait3A_63 = arith.constant 0 : i32
          %dma_wait3A_64 = tpu.memref_slice %arg3[%add3A, %mul3A_38, %dma_wait3A_63] : memref<32x80x125xi32, #tpu.memory_space<hbm>> -> memref<1x16x125xi32, #tpu.memory_space<hbm>>
          %dma_wait3A_65 = tpu.memref_squeeze %dma_wait3A_64 : memref<1x16x125xi32, #tpu.memory_space<hbm>> -> memref<16x125xi32, #tpu.memory_space<hbm>>
          tpu.wait_dma2 semaphore(%run_scoped3A : memref<!tpu.dma_semaphore, #tpu.memory_space<semaphore_mem>>) src(%dma_wait3A_65 : memref<16x125xi32, #tpu.memory_space<hbm>>) dst(%arg7 : memref<16x125xi32, #tpu.memory_space<vmem>>)
          tpu.yield
        }) : () -> ()
        %mul3A_39 = arith.constant 16 : i32
        %mul3A_40 = arith.muli %add3A_36, %mul3A_39 : i32
        "tpu.region"() ({
          %run_scoped3A = tpu.sem_alloc : memref<!tpu.dma_semaphore, #tpu.memory_space<semaphore_mem>>
          %dma_start3A_55 = arith.constant 0 : i32
          %dma_start3A_56 = tpu.memref_slice %arg4[%add3A, %mul3A_40, %dma_start3A_55] : memref<32x80x125xi32, #tpu.memory_space<hbm>> -> memref<1x16x125xi32, #tpu.memory_space<hbm>>
          %dma_start3A_57 = tpu.memref_squeeze %dma_start3A_56 : memref<1x16x125xi32, #tpu.memory_space<hbm>> -> memref<16x125xi32, #tpu.memory_space<hbm>>
          %dma_start3A_58 = arith.constant 0 : i32
          %dma_start3A_59 = tpu.memref_slice %arg4[%add3A, %mul3A_40, %dma_start3A_58] : memref<32x80x125xi32, #tpu.memory_space<hbm>> -> memref<1x16x125xi32, #tpu.memory_space<hbm>>
          %dma_start3A_60 = tpu.memref_squeeze %dma_start3A_59 : memref<1x16x125xi32, #tpu.memory_space<hbm>> -> memref<16x125xi32, #tpu.memory_space<hbm>>
          tpu.enqueue_dma source(%dma_start3A_60 : memref<16x125xi32, #tpu.memory_space<hbm>>) target(%arg8 : memref<16x125xi32, #tpu.memory_space<vmem>>) target_semaphore(%run_scoped3A : memref<!tpu.dma_semaphore, #tpu.memory_space<semaphore_mem>>)
          %dma_wait3A = arith.constant 0 : i32
          %dma_wait3A_61 = tpu.memref_slice %arg4[%add3A, %mul3A_40, %dma_wait3A] : memref<32x80x125xi32, #tpu.memory_space<hbm>> -> memref<1x16x125xi32, #tpu.memory_space<hbm>>
          %dma_wait3A_62 = tpu.memref_squeeze %dma_wait3A_61 : memref<1x16x125xi32, #tpu.memory_space<hbm>> -> memref<16x125xi32, #tpu.memory_space<hbm>>
          %dma_wait3A_63 = arith.constant 0 : i32
          %dma_wait3A_64 = tpu.memref_slice %arg4[%add3A, %mul3A_40, %dma_wait3A_63] : memref<32x80x125xi32, #tpu.memory_space<hbm>> -> memref<1x16x125xi32, #tpu.memory_space<hbm>>
          %dma_wait3A_65 = tpu.memref_squeeze %dma_wait3A_64 : memref<1x16x125xi32, #tpu.memory_space<hbm>> -> memref<16x125xi32, #tpu.memory_space<hbm>>
          tpu.wait_dma2 semaphore(%run_scoped3A : memref<!tpu.dma_semaphore, #tpu.memory_space<semaphore_mem>>) src(%dma_wait3A_65 : memref<16x125xi32, #tpu.memory_space<hbm>>) dst(%arg8 : memref<16x125xi32, #tpu.memory_space<vmem>>)
          tpu.yield
        }) : () -> ()
        %dma_start3A_41 = arith.constant 0 : i32
        %dma_start3A_42 = arith.constant 0 : i32
        %dma_start3A_43 = tpu.memref_slice %arg7[%dma_start3A_41, %dma_start3A_42] : memref<16x125xi32, #tpu.memory_space<vmem>> -> memref<1x125xi32, #tpu.memory_space<vmem>>
        %dma_start3A_44 = tpu.memref_squeeze %dma_start3A_43 : memref<1x125xi32, #tpu.memory_space<vmem>> -> memref<125xi32, #tpu.memory_space<vmem>>
        %dma_start3A_45 = arith.constant 0 : i32
        %dma_start3A_46 = arith.constant 0 : i32
        %dma_start3A_47 = tpu.memref_slice %arg2[%dma_start3A_45, %dma_start3A_46] : memref<10112x128xf32, #tpu.memory_space<hbm>> -> memref<10112x128xf32, #tpu.memory_space<hbm>>
        tpu.enqueue_indirect_dma source(%dma_start3A_47 : memref<10112x128xf32, #tpu.memory_space<hbm>>) target(%arg9 : memref<125x128xf32, #tpu.memory_space<vmem>>) offsets(%dma_start3A_44 : memref<125xi32, #tpu.memory_space<vmem>>) semaphore(%arg12 : memref<!tpu.dma_semaphore, #tpu.memory_space<semaphore_mem>>)
        %dma_start3A_48 = arith.constant 1 : i32
        %dma_start3A_49 = arith.constant 0 : i32
        %dma_start3A_50 = tpu.memref_slice %arg7[%dma_start3A_48, %dma_start3A_49] : memref<16x125xi32, #tpu.memory_space<vmem>> -> memref<1x125xi32, #tpu.memory_space<vmem>>
        %dma_start3A_51 = tpu.memref_squeeze %dma_start3A_50 : memref<1x125xi32, #tpu.memory_space<vmem>> -> memref<125xi32, #tpu.memory_space<vmem>>
        %dma_start3A_52 = arith.constant 0 : i32
        %dma_start3A_53 = arith.constant 0 : i32
        %dma_start3A_54 = tpu.memref_slice %arg2[%dma_start3A_52, %dma_start3A_53] : memref<10112x128xf32, #tpu.memory_space<hbm>> -> memref<10112x128xf32, #tpu.memory_space<hbm>>
        tpu.enqueue_indirect_dma source(%dma_start3A_54 : memref<10112x128xf32, #tpu.memory_space<hbm>>) target(%arg10 : memref<125x128xf32, #tpu.memory_space<vmem>>) offsets(%dma_start3A_51 : memref<125xi32, #tpu.memory_space<vmem>>) semaphore(%arg13 : memref<!tpu.dma_semaphore, #tpu.memory_space<semaphore_mem>>)
      } else {
      }
    }
    %scan3A_19 = arith.constant 5 : i32
    %barrier3A_20 = arith.constant 0 : index
    tpu.barrier barrier_id(%barrier3A_20)
    %mul3A_21 = arith.constant 632 : i32
    %mul3A_22 = arith.muli %arg1, %mul3A_21 : i32
    "tpu.region"() ({
      %run_scoped3A = tpu.sem_alloc : memref<!tpu.dma_semaphore, #tpu.memory_space<semaphore_mem>>
      %dma_start3A_23 = arith.constant 0 : i32
      %dma_start3A_24 = tpu.memref_slice %arg6[%arg0, %mul3A_22, %dma_start3A_23] : memref<2x10112x128xf32, #tpu.memory_space<hbm>> -> memref<1x632x128xf32, #tpu.memory_space<hbm>>
      %dma_start3A_25 = tpu.memref_squeeze %dma_start3A_24 : memref<1x632x128xf32, #tpu.memory_space<hbm>> -> memref<632x128xf32, #tpu.memory_space<hbm>>
      %dma_start3A_26 = arith.constant 0 : i32
      %dma_start3A_27 = tpu.memref_slice %arg11[%mul3A_22, %dma_start3A_26] : memref<10112x128xf32, #tpu.memory_space<vmem_shared>> -> memref<632x128xf32, #tpu.memory_space<vmem_shared>>
      tpu.enqueue_dma source(%dma_start3A_27 : memref<632x128xf32, #tpu.memory_space<vmem_shared>>) target(%dma_start3A_25 : memref<632x128xf32, #tpu.memory_space<hbm>>) target_semaphore(%run_scoped3A : memref<!tpu.dma_semaphore, #tpu.memory_space<semaphore_mem>>)
      %dma_wait3A = arith.constant 0 : i32
      %dma_wait3A_28 = tpu.memref_slice %arg6[%arg0, %mul3A_22, %dma_wait3A] : memref<2x10112x128xf32, #tpu.memory_space<hbm>> -> memref<1x632x128xf32, #tpu.memory_space<hbm>>
      %dma_wait3A_29 = tpu.memref_squeeze %dma_wait3A_28 : memref<1x632x128xf32, #tpu.memory_space<hbm>> -> memref<632x128xf32, #tpu.memory_space<hbm>>
      %dma_wait3A_30 = arith.constant 0 : i32
      %dma_wait3A_31 = tpu.memref_slice %arg11[%mul3A_22, %dma_wait3A_30] : memref<10112x128xf32, #tpu.memory_space<vmem_shared>> -> memref<632x128xf32, #tpu.memory_space<vmem_shared>>
      tpu.wait_dma2 semaphore(%run_scoped3A : memref<!tpu.dma_semaphore, #tpu.memory_space<semaphore_mem>>) src(%dma_wait3A_31 : memref<632x128xf32, #tpu.memory_space<vmem_shared>>) dst(%dma_wait3A_29 : memref<632x128xf32, #tpu.memory_space<hbm>>)
      tpu.yield
    }) : () -> ()
    return
  }
}

module attributes {stable_mosaic.version = 14 : i64} {
  func.func @body(%arg0: i32, %arg1: memref<2528x128xf32, #tpu.memory_space<vmem>>, %arg2: memref<2528x64xf32, #tpu.memory_space<vmem>>, %arg3: memref<128x192xf32, #tpu.memory_space<vmem>>, %arg4: memref<128x192xf32, #tpu.memory_space<vmem>>, %arg5: memref<1x128xf32, #tpu.memory_space<vmem>>, %arg6: memref<2528x128xf32, #tpu.memory_space<vmem>>, %arg7: memref<2528x128xf32, #tpu.memory_space<vmem>>) attributes {dimension_semantics = [#tpu.dimension_semantics<arbitrary>], iteration_bounds = array<i64: 4>, scalar_prefetch = 0 : i64, scratch_operands = 0 : i64, tpu.core_type = #tpu.core_type<tc>, window_params = [{transform_indices = @transform_0, window_bounds = array<i64: 2528, 128>}, {transform_indices = @transform_1, window_bounds = array<i64: 2528, 64>}, {pipeline_mode = #tpu.pipeline_mode<synchronous>, transform_indices = @transform_2, window_bounds = array<i64: 128, 192>}, {pipeline_mode = #tpu.pipeline_mode<synchronous>, transform_indices = @transform_3, window_bounds = array<i64: 128, 192>}, {pipeline_mode = #tpu.pipeline_mode<synchronous>, transform_indices = @transform_4, window_bounds = array<i64: 1, 128>}, {transform_indices = @transform_5, window_bounds = array<i64: 2528, 128>}, {transform_indices = @transform_6, window_bounds = array<i64: 2528, 128>}]} {
    %get3A = arith.constant 0 : index
    %get3A_0 = arith.constant 0 : index
    %get3A_1 = vector.load %arg1[%get3A, %get3A_0] : memref<2528x128xf32, #tpu.memory_space<vmem>>, vector<2528x128xf32>
    %get3A_2 = arith.constant 0 : index
    %get3A_3 = arith.constant 0 : index
    %get3A_4 = vector.load %arg2[%get3A_2, %get3A_3] : memref<2528x64xf32, #tpu.memory_space<vmem>>, vector<2528x64xf32>
    %get3A_5 = arith.constant 0 : index
    %get3A_6 = arith.constant 0 : index
    %get3A_7 = vector.load %arg3[%get3A_5, %get3A_6] : memref<128x192xf32, #tpu.memory_space<vmem>>, vector<128x192xf32>
    %get3A_8 = arith.constant 0 : index
    %get3A_9 = arith.constant 0 : index
    %get3A_10 = vector.load %arg4[%get3A_8, %get3A_9] : memref<128x192xf32, #tpu.memory_space<vmem>>, vector<128x192xf32>
    %slice3A = vector.extract_strided_slice %get3A_7 {offsets = [0, 0], sizes = [128, 128], strides = [1, 1]} : vector<128x192xf32> to vector<128x128xf32>
    %dot_general3A = arith.constant dense<0.000000e+00> : vector<2528x128xf32>
    %dot_general3A_11 = tpu.matmul %get3A_1, %slice3A, %dot_general3A {dimension_numbers = #tpu.dot_dimension_numbers<[1], [1], [0], [0], [0, 0, 1, 0], [], []>, transpose_lhs_hint = false} : vector<2528x128xf32>, vector<128x128xf32>, vector<2528x128xf32> -> vector<2528x128xf32>
    %slice3A_12 = vector.extract_strided_slice %get3A_7 {offsets = [0, 128], sizes = [128, 64], strides = [1, 1]} : vector<128x192xf32> to vector<128x64xf32>
    %dot_general3A_13 = arith.constant dense<0.000000e+00> : vector<2528x128xf32>
    %dot_general3A_14 = tpu.matmul %get3A_4, %slice3A_12, %dot_general3A_13 {dimension_numbers = #tpu.dot_dimension_numbers<[1], [1], [0], [0], [0, 0, 1, 0], [], []>, transpose_lhs_hint = false} : vector<2528x64xf32>, vector<128x64xf32>, vector<2528x128xf32> -> vector<2528x128xf32>
    %add3A = arith.addf %dot_general3A_11, %dot_general3A_14 : vector<2528x128xf32>
    %swap3A = arith.constant 0 : index
    %swap3A_15 = arith.constant 0 : index
    %swap3A_16 = vector.load %arg6[%swap3A, %swap3A_15] : memref<2528x128xf32, #tpu.memory_space<vmem>>, vector<2528x128xf32>
    tpu.vector_store %arg6[%swap3A, %swap3A_15], %add3A {strides = array<i32>} : memref<2528x128xf32, #tpu.memory_space<vmem>>, vector<2528x128xf32>,
    %slice3A_17 = vector.extract_strided_slice %get3A_10 {offsets = [0, 0], sizes = [128, 128], strides = [1, 1]} : vector<128x192xf32> to vector<128x128xf32>
    %dot_general3A_18 = arith.constant dense<0.000000e+00> : vector<2528x128xf32>
    %dot_general3A_19 = tpu.matmul %get3A_1, %slice3A_17, %dot_general3A_18 {dimension_numbers = #tpu.dot_dimension_numbers<[1], [1], [0], [0], [0, 0, 1, 0], [], []>, transpose_lhs_hint = false} : vector<2528x128xf32>, vector<128x128xf32>, vector<2528x128xf32> -> vector<2528x128xf32>
    %slice3A_20 = vector.extract_strided_slice %get3A_10 {offsets = [0, 128], sizes = [128, 64], strides = [1, 1]} : vector<128x192xf32> to vector<128x64xf32>
    %dot_general3A_21 = arith.constant dense<0.000000e+00> : vector<2528x128xf32>
    %dot_general3A_22 = tpu.matmul %get3A_4, %slice3A_20, %dot_general3A_21 {dimension_numbers = #tpu.dot_dimension_numbers<[1], [1], [0], [0], [0, 0, 1, 0], [], []>, transpose_lhs_hint = false} : vector<2528x64xf32>, vector<128x64xf32>, vector<2528x128xf32> -> vector<2528x128xf32>
    %add3A_23 = arith.addf %dot_general3A_19, %dot_general3A_22 : vector<2528x128xf32>
    %get3A_24 = arith.constant 0 : index
    %get3A_25 = arith.constant 0 : index
    %get3A_26 = vector.load %arg5[%get3A_24, %get3A_25] : memref<1x128xf32, #tpu.memory_space<vmem>>, vector<1x128xf32>
    %add3A_27 = vector.broadcast %get3A_26 : vector<1x128xf32> to vector<2528x128xf32>
    %add3A_28 = arith.addf %add3A_23, %add3A_27 : vector<2528x128xf32>
    %swap3A_29 = arith.constant 0 : index
    %swap3A_30 = arith.constant 0 : index
    %swap3A_31 = vector.load %arg7[%swap3A_29, %swap3A_30] : memref<2528x128xf32, #tpu.memory_space<vmem>>, vector<2528x128xf32>
    tpu.vector_store %arg7[%swap3A_29, %swap3A_30], %add3A_28 {strides = array<i32>} : memref<2528x128xf32, #tpu.memory_space<vmem>>, vector<2528x128xf32>,
    return
  }
  func.func @transform_0(%arg0: i32) -> (i32, i32) {
    %c0_i32 = arith.constant 0 : i32
    %c0_i32_0 = arith.constant 0 : i32
    return %arg0, %c0_i32 : i32, i32
  }
  func.func @transform_1(%arg0: i32) -> (i32, i32) {
    %c0_i32 = arith.constant 0 : i32
    %c0_i32_0 = arith.constant 0 : i32
    return %arg0, %c0_i32 : i32, i32
  }
  func.func @transform_2(%arg0: i32) -> (i32, i32) {
    %c0_i32 = arith.constant 0 : i32
    %c0_i32_0 = arith.constant 0 : i32
    %c0_i32_1 = arith.constant 0 : i32
    return %c0_i32, %c0_i32_0 : i32, i32
  }
  func.func @transform_3(%arg0: i32) -> (i32, i32) {
    %c0_i32 = arith.constant 0 : i32
    %c0_i32_0 = arith.constant 0 : i32
    %c0_i32_1 = arith.constant 0 : i32
    return %c0_i32, %c0_i32_0 : i32, i32
  }
  func.func @transform_4(%arg0: i32) -> (i32, i32) {
    %c0_i32 = arith.constant 0 : i32
    %c0_i32_0 = arith.constant 0 : i32
    %c0_i32_1 = arith.constant 0 : i32
    return %c0_i32, %c0_i32_0 : i32, i32
  }
  func.func @transform_5(%arg0: i32) -> (i32, i32) {
    %c0_i32 = arith.constant 0 : i32
    %c0_i32_0 = arith.constant 0 : i32
    return %arg0, %c0_i32 : i32, i32
  }
  func.func @transform_6(%arg0: i32) -> (i32, i32) {
    %c0_i32 = arith.constant 0 : i32
    %c0_i32_0 = arith.constant 0 : i32
    return %arg0, %c0_i32 : i32, i32
  }
}

module attributes {stable_mosaic.version = 14 : i64} {
  func.func @body(%arg0: i32, %arg1: memref<2x2528x128xf32, #tpu.memory_space<vmem>>, %arg2: memref<2x2528x8xf32, #tpu.memory_space<vmem>>, %arg3: memref<2528x128xf32, #tpu.memory_space<vmem>>, %arg4: memref<64x128xf32, #tpu.memory_space<vmem>>, %arg5: memref<64x128xf32, #tpu.memory_space<vmem>>, %arg6: memref<1x64xf32, #tpu.memory_space<vmem>>, %arg7: memref<2528x64xf32, #tpu.memory_space<vmem>>, %arg8: memref<2528x64xf32, #tpu.memory_space<vmem>>) attributes {dimension_semantics = [#tpu.dimension_semantics<arbitrary>], iteration_bounds = array<i64: 4>, scalar_prefetch = 0 : i64, scratch_operands = 0 : i64, tpu.core_type = #tpu.core_type<tc>, window_params = [{transform_indices = @transform_0, window_bounds = array<i64: 2, 2528, 128>}, {transform_indices = @transform_1, window_bounds = array<i64: 2, 2528, 8>}, {transform_indices = @transform_2, window_bounds = array<i64: 2528, 128>}, {pipeline_mode = #tpu.pipeline_mode<synchronous>, transform_indices = @transform_3, window_bounds = array<i64: 64, 128>}, {pipeline_mode = #tpu.pipeline_mode<synchronous>, transform_indices = @transform_4, window_bounds = array<i64: 64, 128>}, {pipeline_mode = #tpu.pipeline_mode<synchronous>, transform_indices = @transform_5, window_bounds = array<i64: 1, 64>}, {transform_indices = @transform_6, window_bounds = array<i64: 2528, 64>}, {transform_indices = @transform_7, window_bounds = array<i64: 2528, 64>}]} {
    %get3A = arith.constant 0 : index
    %get3A_0 = arith.constant 0 : index
    %get3A_1 = arith.constant 0 : index
    %get3A_2 = vector.load %arg1[%get3A, %get3A_0, %get3A_1] : memref<2x2528x128xf32, #tpu.memory_space<vmem>>, vector<2x2528x128xf32>
    %get3A_3 = arith.constant 0 : index
    %get3A_4 = arith.constant 0 : index
    %get3A_5 = arith.constant 0 : index
    %get3A_6 = vector.load %arg2[%get3A_3, %get3A_4, %get3A_5] : memref<2x2528x8xf32, #tpu.memory_space<vmem>>, vector<2x2528x8xf32>
    %slice3A = vector.extract_strided_slice %get3A_6 {offsets = [0, 0, 0], sizes = [1, 2528, 1], strides = [1, 1, 1]} : vector<2x2528x8xf32> to vector<1x2528x1xf32>
    %squeeze3A = vector.shape_cast %slice3A : vector<1x2528x1xf32> to vector<2528x1xf32>
    %slice3A_7 = vector.extract_strided_slice %get3A_6 {offsets = [1, 0, 0], sizes = [1, 2528, 1], strides = [1, 1, 1]} : vector<2x2528x8xf32> to vector<1x2528x1xf32>
    %squeeze3A_8 = vector.shape_cast %slice3A_7 : vector<1x2528x1xf32> to vector<2528x1xf32>
    %add3A = arith.addf %squeeze3A, %squeeze3A_8 : vector<2528x1xf32>
    %max3A = arith.constant 1.000000e+00 : f32
    %max3A_9 = vector.broadcast %max3A : f32 to vector<2528x1xf32>
    %max3A_10 = arith.maximumf %add3A, %max3A_9 : vector<2528x1xf32>
    %div3A = arith.constant 1.000000e+00 : f32
    %div3A_11 = vector.broadcast %div3A : f32 to vector<2528x1xf32>
    %div3A_12 = arith.divf %div3A_11, %max3A_10 : vector<2528x1xf32>
    %slice3A_13 = vector.extract_strided_slice %get3A_2 {offsets = [0, 0, 0], sizes = [1, 2528, 128], strides = [1, 1, 1]} : vector<2x2528x128xf32> to vector<1x2528x128xf32>
    %squeeze3A_14 = vector.shape_cast %slice3A_13 : vector<1x2528x128xf32> to vector<2528x128xf32>
    %slice3A_15 = vector.extract_strided_slice %get3A_2 {offsets = [1, 0, 0], sizes = [1, 2528, 128], strides = [1, 1, 1]} : vector<2x2528x128xf32> to vector<1x2528x128xf32>
    %squeeze3A_16 = vector.shape_cast %slice3A_15 : vector<1x2528x128xf32> to vector<2528x128xf32>
    %add3A_17 = arith.addf %squeeze3A_14, %squeeze3A_16 : vector<2528x128xf32>
    %mul3A = vector.broadcast %div3A_12 : vector<2528x1xf32> to vector<2528x128xf32>
    %mul3A_18 = arith.mulf %add3A_17, %mul3A : vector<2528x128xf32>
    %get3A_19 = arith.constant 0 : index
    %get3A_20 = arith.constant 0 : index
    %get3A_21 = vector.load %arg3[%get3A_19, %get3A_20] : memref<2528x128xf32, #tpu.memory_space<vmem>>, vector<2528x128xf32>
    %add3A_22 = arith.addf %mul3A_18, %get3A_21 : vector<2528x128xf32>
    %max3A_23 = arith.constant 0.000000e+00 : f32
    %max3A_24 = vector.broadcast %max3A_23 : f32 to vector<2528x128xf32>
    %max3A_25 = arith.maximumf %add3A_22, %max3A_24 : vector<2528x128xf32>
    %get3A_26 = arith.constant 0 : index
    %get3A_27 = arith.constant 0 : index
    %get3A_28 = vector.load %arg4[%get3A_26, %get3A_27] : memref<64x128xf32, #tpu.memory_space<vmem>>, vector<64x128xf32>
    %dot_general3A = arith.constant dense<0.000000e+00> : vector<2528x64xf32>
    %dot_general3A_29 = tpu.matmul %max3A_25, %get3A_28, %dot_general3A {dimension_numbers = #tpu.dot_dimension_numbers<[1], [1], [0], [0], [0, 0, 1, 0], [], []>, transpose_lhs_hint = false} : vector<2528x128xf32>, vector<64x128xf32>, vector<2528x64xf32> -> vector<2528x64xf32>
    %swap3A = arith.constant 0 : index
    %swap3A_30 = arith.constant 0 : index
    %swap3A_31 = vector.load %arg7[%swap3A, %swap3A_30] : memref<2528x64xf32, #tpu.memory_space<vmem>>, vector<2528x64xf32>
    tpu.vector_store %arg7[%swap3A, %swap3A_30], %dot_general3A_29 {strides = array<i32>} : memref<2528x64xf32, #tpu.memory_space<vmem>>, vector<2528x64xf32>,
    %get3A_32 = arith.constant 0 : index
    %get3A_33 = arith.constant 0 : index
    %get3A_34 = vector.load %arg5[%get3A_32, %get3A_33] : memref<64x128xf32, #tpu.memory_space<vmem>>, vector<64x128xf32>
    %dot_general3A_35 = arith.constant dense<0.000000e+00> : vector<2528x64xf32>
    %dot_general3A_36 = tpu.matmul %max3A_25, %get3A_34, %dot_general3A_35 {dimension_numbers = #tpu.dot_dimension_numbers<[1], [1], [0], [0], [0, 0, 1, 0], [], []>, transpose_lhs_hint = false} : vector<2528x128xf32>, vector<64x128xf32>, vector<2528x64xf32> -> vector<2528x64xf32>
    %get3A_37 = arith.constant 0 : index
    %get3A_38 = arith.constant 0 : index
    %get3A_39 = vector.load %arg6[%get3A_37, %get3A_38] : memref<1x64xf32, #tpu.memory_space<vmem>>, vector<1x64xf32>
    %add3A_40 = vector.broadcast %get3A_39 : vector<1x64xf32> to vector<2528x64xf32>
    %add3A_41 = arith.addf %dot_general3A_36, %add3A_40 : vector<2528x64xf32>
    %swap3A_42 = arith.constant 0 : index
    %swap3A_43 = arith.constant 0 : index
    %swap3A_44 = vector.load %arg8[%swap3A_42, %swap3A_43] : memref<2528x64xf32, #tpu.memory_space<vmem>>, vector<2528x64xf32>
    tpu.vector_store %arg8[%swap3A_42, %swap3A_43], %add3A_41 {strides = array<i32>} : memref<2528x64xf32, #tpu.memory_space<vmem>>, vector<2528x64xf32>,
    return
  }
  func.func @transform_0(%arg0: i32) -> (i32, i32, i32) {
    %c0_i32 = arith.constant 0 : i32
    %c0_i32_0 = arith.constant 0 : i32
    %c0_i32_1 = arith.constant 0 : i32
    return %c0_i32, %arg0, %c0_i32_0 : i32, i32, i32
  }
  func.func @transform_1(%arg0: i32) -> (i32, i32, i32) {
    %c0_i32 = arith.constant 0 : i32
    %c0_i32_0 = arith.constant 0 : i32
    %c0_i32_1 = arith.constant 0 : i32
    return %c0_i32, %arg0, %c0_i32_0 : i32, i32, i32
  }
  func.func @transform_2(%arg0: i32) -> (i32, i32) {
    %c0_i32 = arith.constant 0 : i32
    %c0_i32_0 = arith.constant 0 : i32
    return %arg0, %c0_i32 : i32, i32
  }
  func.func @transform_3(%arg0: i32) -> (i32, i32) {
    %c0_i32 = arith.constant 0 : i32
    %c0_i32_0 = arith.constant 0 : i32
    %c0_i32_1 = arith.constant 0 : i32
    return %c0_i32, %c0_i32_0 : i32, i32
  }
  func.func @transform_4(%arg0: i32) -> (i32, i32) {
    %c0_i32 = arith.constant 0 : i32
    %c0_i32_0 = arith.constant 0 : i32
    %c0_i32_1 = arith.constant 0 : i32
    return %c0_i32, %c0_i32_0 : i32, i32
  }
  func.func @transform_5(%arg0: i32) -> (i32, i32) {
    %c0_i32 = arith.constant 0 : i32
    %c0_i32_0 = arith.constant 0 : i32
    %c0_i32_1 = arith.constant 0 : i32
    return %c0_i32, %c0_i32_0 : i32, i32
  }
  func.func @transform_6(%arg0: i32) -> (i32, i32) {
    %c0_i32 = arith.constant 0 : i32
    %c0_i32_0 = arith.constant 0 : i32
    return %arg0, %c0_i32 : i32, i32
  }
  func.func @transform_7(%arg0: i32) -> (i32, i32) {
    %c0_i32 = arith.constant 0 : i32
    %c0_i32_0 = arith.constant 0 : i32
    return %arg0, %c0_i32 : i32, i32
  }
}

module attributes {stable_mosaic.version = 14 : i64} {
  func.func @body(%arg0: i32, %arg1: memref<2x2528x64xf32, #tpu.memory_space<vmem>>, %arg2: memref<2x2528x8xf32, #tpu.memory_space<vmem>>, %arg3: memref<2528x64xf32, #tpu.memory_space<vmem>>, %arg4: memref<2528x64xf32, #tpu.memory_space<vmem>>) attributes {dimension_semantics = [#tpu.dimension_semantics<arbitrary>], iteration_bounds = array<i64: 4>, scalar_prefetch = 0 : i64, scratch_operands = 0 : i64, tpu.core_type = #tpu.core_type<tc>, window_params = [{transform_indices = @transform_0, window_bounds = array<i64: 2, 2528, 64>}, {transform_indices = @transform_1, window_bounds = array<i64: 2, 2528, 8>}, {transform_indices = @transform_2, window_bounds = array<i64: 2528, 64>}, {transform_indices = @transform_3, window_bounds = array<i64: 2528, 64>}]} {
    %get3A = arith.constant 0 : index
    %get3A_0 = arith.constant 0 : index
    %get3A_1 = arith.constant 0 : index
    %get3A_2 = vector.load %arg1[%get3A, %get3A_0, %get3A_1] : memref<2x2528x64xf32, #tpu.memory_space<vmem>>, vector<2x2528x64xf32>
    %get3A_3 = arith.constant 0 : index
    %get3A_4 = arith.constant 0 : index
    %get3A_5 = arith.constant 0 : index
    %get3A_6 = vector.load %arg2[%get3A_3, %get3A_4, %get3A_5] : memref<2x2528x8xf32, #tpu.memory_space<vmem>>, vector<2x2528x8xf32>
    %slice3A = vector.extract_strided_slice %get3A_6 {offsets = [0, 0, 0], sizes = [1, 2528, 1], strides = [1, 1, 1]} : vector<2x2528x8xf32> to vector<1x2528x1xf32>
    %squeeze3A = vector.shape_cast %slice3A : vector<1x2528x1xf32> to vector<2528x1xf32>
    %slice3A_7 = vector.extract_strided_slice %get3A_6 {offsets = [1, 0, 0], sizes = [1, 2528, 1], strides = [1, 1, 1]} : vector<2x2528x8xf32> to vector<1x2528x1xf32>
    %squeeze3A_8 = vector.shape_cast %slice3A_7 : vector<1x2528x1xf32> to vector<2528x1xf32>
    %add3A = arith.addf %squeeze3A, %squeeze3A_8 : vector<2528x1xf32>
    %max3A = arith.constant 1.000000e+00 : f32
    %max3A_9 = vector.broadcast %max3A : f32 to vector<2528x1xf32>
    %max3A_10 = arith.maximumf %add3A, %max3A_9 : vector<2528x1xf32>
    %div3A = arith.constant 1.000000e+00 : f32
    %div3A_11 = vector.broadcast %div3A : f32 to vector<2528x1xf32>
    %div3A_12 = arith.divf %div3A_11, %max3A_10 : vector<2528x1xf32>
    %slice3A_13 = vector.extract_strided_slice %get3A_2 {offsets = [0, 0, 0], sizes = [1, 2528, 64], strides = [1, 1, 1]} : vector<2x2528x64xf32> to vector<1x2528x64xf32>
    %squeeze3A_14 = vector.shape_cast %slice3A_13 : vector<1x2528x64xf32> to vector<2528x64xf32>
    %slice3A_15 = vector.extract_strided_slice %get3A_2 {offsets = [1, 0, 0], sizes = [1, 2528, 64], strides = [1, 1, 1]} : vector<2x2528x64xf32> to vector<1x2528x64xf32>
    %squeeze3A_16 = vector.shape_cast %slice3A_15 : vector<1x2528x64xf32> to vector<2528x64xf32>
    %add3A_17 = arith.addf %squeeze3A_14, %squeeze3A_16 : vector<2528x64xf32>
    %mul3A = vector.broadcast %div3A_12 : vector<2528x1xf32> to vector<2528x64xf32>
    %mul3A_18 = arith.mulf %add3A_17, %mul3A : vector<2528x64xf32>
    %get3A_19 = arith.constant 0 : index
    %get3A_20 = arith.constant 0 : index
    %get3A_21 = vector.load %arg3[%get3A_19, %get3A_20] : memref<2528x64xf32, #tpu.memory_space<vmem>>, vector<2528x64xf32>
    %add3A_22 = arith.addf %mul3A_18, %get3A_21 : vector<2528x64xf32>
    %swap3A = arith.constant 0 : index
    %swap3A_23 = arith.constant 0 : index
    %swap3A_24 = vector.load %arg4[%swap3A, %swap3A_23] : memref<2528x64xf32, #tpu.memory_space<vmem>>, vector<2528x64xf32>
    tpu.vector_store %arg4[%swap3A, %swap3A_23], %add3A_22 {strides = array<i32>} : memref<2528x64xf32, #tpu.memory_space<vmem>>, vector<2528x64xf32>,
    return
  }
  func.func @transform_0(%arg0: i32) -> (i32, i32, i32) {
    %c0_i32 = arith.constant 0 : i32
    %c0_i32_0 = arith.constant 0 : i32
    %c0_i32_1 = arith.constant 0 : i32
    return %c0_i32, %arg0, %c0_i32_0 : i32, i32, i32
  }
  func.func @transform_1(%arg0: i32) -> (i32, i32, i32) {
    %c0_i32 = arith.constant 0 : i32
    %c0_i32_0 = arith.constant 0 : i32
    %c0_i32_1 = arith.constant 0 : i32
    return %c0_i32, %arg0, %c0_i32_0 : i32, i32, i32
  }
  func.func @transform_2(%arg0: i32) -> (i32, i32) {
    %c0_i32 = arith.constant 0 : i32
    %c0_i32_0 = arith.constant 0 : i32
    return %arg0, %c0_i32 : i32, i32
  }
  func.func @transform_3(%arg0: i32) -> (i32, i32) {
    %c0_i32 = arith.constant 0 : i32
    %c0_i32_0 = arith.constant 0 : i32
    return %arg0, %c0_i32 : i32, i32
  }
}

</mosaic_0001>

<sc_bundles>
// kernel: kernel.11.cloned.1.call-start
scs
__scs_entry_jumppad:
0x0: {  	(pc) =	sbr.rel $0x88, $3  }
0x1: {  	(tag) =	ssettag $0x0;
	lr =	simm.s32 $0x1  }
0x2: {  	[smem:$0x3F98] =	sst lr;
	_ =	strace $0xD0000000  }
0x3: {  	_ = 	snop  }
0x4: {  	_ = 	snop  }
0x5: {  	_ = 	snop  }
0x6: {  	_ = 	snop  }
0x7: {  	_ = 	snop  }
__scs_overlays_trampoline_lowered:
0x8: {  	[smem:$0x3FA7] =	sst s0  }
0x9: {  	[smem:$0x3FA8] =	sst s1  }
0xa: {  	[smem:$0x3FA9] =	sst s2  }
0xb: {  	[smem:$0x3FAA] =	sst s3  }
0xc: {  	[smem:$0x3FAB] =	sst s4  }
0xd: {  	[smem:$0x3FAC] =	sst s5  }
0xe: {  	[smem:$0x3FAD] =	sst s6  }
0xf: {  	[smem:$0x3FAE] =	sst s7  }
0x10: {  	[smem:$0x3FAF] =	sst s8  }
0x11: {  	[smem:$0x3FB0] =	sst s9;
	s0 =	simm.s32 @!p0 $0x0  }
0x12: {  	s1 =	sld [smem:$0x3F96];
	s0 =	simm.s32 @p0 $0x1  }
0x13: {  	[smem:$0x3FB1] =	sst s0;
	s0 =	simm.s32 @!p1 $0x0  }
0x14: {  	s2 =	sld [smem:$0x3F95];
	s0 =	simm.s32 @p1 $0x1  }
0x15: {  	[smem:$0x3FB2] =	sst s0;
	s0 =	simm.s32 @!p2 $0x0  }
0x16: {  	s3 =	sld [smem:$0x3FDB];
	s0 =	simm.s32 @p2 $0x1  }
0x17: {  	s4 =	simm.s32 $0x1BF5;
	[smem:$0x3FB4] =	sst s0  }
0x18: {  	s0 =	sld [smem:$0x3F97];
	_ =	swait.ge [sflag:s4], $0x0  }
0x19: {  	s7 =	sld [smem:$0x3F98]  }
0x1a: {  	s8 =	sadd.s32 $0xFFFFE003, lr  }
0x1b: {  	s9 =	sadd.s32 $0xFFFFFEF7, lr;
	s5 =	simm.s32 $0xFFFFFFFF;
	p2 =	slt.u32 s8, $0xFFFFF086  }
0x1c: {  	p1 =	slt.u32 s9, $0xF7A;
	s5 =	simm.s32 @!p2 $0x0  }
0x1d: {  	s5 =	simm.s32 @p1 $0x1;
	p0 =	seq.s32 s7, s2  }
0x1e: {  	s7 =	smul.u32 @!p0 $0xF7A, s2;
	p2 =	seq.s32 @!p0 s5, $0x0  }
0x1f: {  	s9 =	smul.u32 $0xF7A, s1;
	s8 =	simm.s32 @!p0 $0x1BF5;
	p2 =	por !p2, p0  }
0x20: {  	[sflag:s8] =	ssyncset.s32 @!p0 $0xFFFFF086;
	s6 =	sadd.s32 @!p0 s3, s7;
	s7 =	simm.s32 @!p0 $0x108  }
0x21: {  	s3 =	sadd.s32 s3, s9;
	s6 =	sadd.s32 @!p0 $0x88, s6;
	s7 =	simm.s32 @p2 $0x1082  }
0x22: {  	[simem:s7], [sflag:s8] =	dma.local @!p0 [hbm:s6], $0xF7A  }
0x23: {  	s9 =	sor.u32 $0xD0000000, s2;
	s6 =	simm.s32 $0x108;
	_ =	swait.ge @!p0 [sflag:s8], $0x0  }
0x24: {  	s3 =	sadd.s32 $0x88, s3;
	s6 =	simm.s32 @!p1 $0x1082;
	[sflag:s4] =	ssyncset.s32 $0xFFFFF086  }
0x25: {  	[simem:s6], [sflag:s4] =	dma.local [hbm:s3], $0xF7A  }
0x26: {  	[smem:$0x3F98] =	sst s1;
	(tag) =	ssettag s2;
	_ =	strace s9  }
0x27: {  	s1 =	sld [smem:$0x3FA8]  }
0x28: {  	s2 =	sld [smem:$0x3FA9]  }
0x29: {  	s4 =	sld [smem:$0x3FAB]  }
0x2a: {  	p0 =	seq.s32 s5, $0x0;
	s5 =	sld [smem:$0x3FAC]  }
0x2b: {  	s6 =	sld [smem:$0x3FAD]  }
0x2c: {  	s7 =	sld [smem:$0x3FAE]  }
0x2d: {  	s3 =	simm.s32 $0x108;
	s8 =	sld [smem:$0x3FAF]  }
0x2e: {  	s3 =	simm.s32 @!p0 $0x1082;
	s9 =	sld [smem:$0x3FB0]  }
0x2f: {  	lr =	sadd.s32 s0, s3;
	s0 =	sld [smem:$0x3FA7]  }
0x30: {  	s3 =	sld [smem:$0x3FAA]  }
0x31: {  	[smem:$0x3FB3] =	sst s10  }
0x32: {  	s10 =	sld [smem:$0x3FB1];
	_ =	sdelay $0x3  }
0x33: {  	p0 =	seq.s32 s10, $0x1;
	s10 =	sld [smem:$0x3FB3];
	_ =	sdelay $0x3  }
0x34: {  	[smem:$0x3FB3] =	sst s10  }
0x35: {  	s10 =	sld [smem:$0x3FB2];
	_ =	sdelay $0x3  }
0x36: {  	p1 =	seq.s32 s10, $0x1;
	s10 =	sld [smem:$0x3FB3];
	_ =	sdelay $0x3  }
0x37: {  	[smem:$0x3FB3] =	sst s10  }
0x38: {  	s10 =	sld [smem:$0x3FB4]  }
0x39: {  	_ = 	snop;
	(pc) =	sbr.ind lr, $3  }
0x3a: {  	_ = 	snop  }
0x3b: {  	_ = 	snop  }
0x3c: {  	p2 =	seq.s32 s10, $0x1;
	s10 =	sld [smem:$0x3FB3]  }
0x3d: {  	_ =	shalt  }
0x3e: {  	_ =	shalt  }
0x3f: {  	_ =	shalt  }
0x40: {  	_ =	shalt  }
0x41: {  	_ =	shalt  }
0x42: {  	_ =	shalt  }
0x43: {  	_ =	shalt  }
0x44: {  	_ =	shalt  }
0x45: {  	_ =	shalt  }
0x46: {  	_ =	shalt  }
0x47: {  	_ =	shalt  }
0x48: {  	_ =	shalt  }
0x49: {  	_ =	shalt  }
0x4a: {  	_ =	shalt  }
0x4b: {  	_ =	shalt  }
0x4c: {  	_ =	shalt  }
0x4d: {  	_ =	shalt  }
0x4e: {  	_ =	shalt  }
0x4f: {  	_ =	shalt  }
0x50: {  	_ =	shalt  }
0x51: {  	_ =	shalt  }
0x52: {  	_ =	shalt  }
0x53: {  	_ =	shalt  }
0x54: {  	_ =	shalt  }
0x55: {  	_ =	shalt  }
0x56: {  	_ =	shalt  }
0x57: {  	_ =	shalt  }
0x58: {  	_ =	shalt  }
0x59: {  	_ =	shalt  }
0x5a: {  	_ =	shalt  }
0x5b: {  	_ =	shalt  }
0x5c: {  	_ =	shalt  }
0x5d: {  	_ =	shalt  }
0x5e: {  	_ =	shalt  }
0x5f: {  	_ =	shalt  }
0x60: {  	_ =	shalt  }
0x61: {  	_ =	shalt  }
0x62: {  	_ =	shalt  }
0x63: {  	_ =	shalt  }
0x64: {  	_ =	shalt  }
0x65: {  	_ =	shalt  }
0x66: {  	_ =	shalt  }
0x67: {  	_ =	shalt  }
0x68: {  	_ =	shalt  }
0x69: {  	_ =	shalt  }
0x6a: {  	_ =	shalt  }
0x6b: {  	_ =	shalt  }
0x6c: {  	_ =	shalt  }
0x6d: {  	_ =	shalt  }
0x6e: {  	_ =	shalt  }
0x6f: {  	_ =	shalt  }
0x70: {  	_ =	shalt  }
0x71: {  	_ =	shalt  }
0x72: {  	_ =	shalt  }
0x73: {  	_ =	shalt  }
0x74: {  	_ =	shalt  }
0x75: {  	_ =	shalt  }
0x76: {  	_ =	shalt  }
0x77: {  	_ =	shalt  }
0x78: {  	_ =	shalt  }
0x79: {  	_ =	shalt  }
0x7a: {  	_ =	shalt  }
0x7b: {  	_ =	shalt  }
0x7c: {  	_ =	shalt  }
0x7d: {  	_ =	shalt  }
0x7e: {  	_ =	shalt  }
0x7f: {  	_ =	shalt  }
0x80: {  	_ =	shalt  }
0x81: {  	_ =	shalt  }
0x82: {  	_ =	shalt  }
0x83: {  	_ =	shalt  }
0x84: {  	_ =	shalt  }
0x85: {  	_ =	shalt  }
0x86: {  	_ =	shalt  }
0x87: {  	_ =	shalt  }
.Lfunc_end0:
.L_simem_size_0:
called_computation.1_lowered:
.L_overlay_start_0:
0x88: {  	s2 =	sld [smem:$0x3FD9]  }
0x89: {  	s3 =	sld [smem:$0x3FFE];
	_ =	sdelay $0x1  }
0x8a: {  	s1 =	srdreg.scid  }
0x8b: {  	s0 =	sand.u32 $0x1, s1  }
0x8c: {  	s17 =	sshll.u32 s0, $0xA;
	s2 =	sadd.s32 s3, s2  }
0x8d: {  	s2 =	sadd.s32 s2, s17  }
0x8e: {  	[smem:$0x3FBF] =	sst s2  }
0x8f: {  	_ = 	snop  }
0x90: {  	(tm) =	ssettm $0x1  }
0x91: {  	s18 =	sld [smem:$0x3FFB];
	_ =	sdelay $0x3  }
0x92: {  	_ =	strace s18  }
0x93: {  	s2 =	sld [smem:$0x3FFC];
	_ =	sdelay $0x3  }
0x94: {  	_ =	strace s2  }
0x95: {  	s2 =	sld [smem:$0x3FFD];
	_ =	sdelay $0x3  }
0x96: {  	_ =	strace s2  }
0x97: {  	_ =	strace $0x8FFFFFFF  }
0x98: {  	s19 =	sld [smem:$0x3FDB];
	_ =	sdelay $0x1  }
0x99: {  	s20 =	simm.s32 $_scs_section_size  }
0x9a: {  	s4 =	simm.s32 $_size__tile_overlayer_lowered;
	s5 =	simm.s32 $_tile_overlayer_lowered  }
0x9b: {  	s6 =	simm.s32 $0x1BFF;
	s21 =	sshll.u32 s5, $0x1;
	s3 =	sadd.s32 s20, s19  }
0x9c: {  	s22 =	simm.s32 $0x0;
	s4 =	sshll.u32 s4, $0x1;
	s5 =	sadd.s32 s21, s3  }
0x9d: {  	[timem:s22], [sflag:s6] =	dma.local [hbm:s5], s4  }
0x9e: {  	_ =	swait.ge [sflag:s6], s4  }
0x9f: {  	s4 =	ssub.s32 $0x0, s4;
	[sflag:s6] =	ssyncset.done $0x0  }
0xa0: {  	[sflag:s6] =	ssyncadd.s32 s4;
	_ =	sdelay $0x1  }
0xa1: {  	s23 =	simm.s32 $0x1B8B  }
0xa2: {  	_ =	swait.ge [sflag:s23], $0x1  }
0xa3: {  	[sflag:s23] =	ssyncset.done $0x0  }
0xa4: {  	[sflag:s23] =	ssyncadd.s32 $0xFFFFFFFF  }
0xa5: {  	s4 =	sld [smem:$0x0]  }
0xa6: {  	s5 =	sand.u32 $0xFFFFFFFE, s1  }
0xa7: {  	p0 =	sne.s32 s1, s5  }
0xa8: {  	s5 =	sshll.u32 @p0 s5, $0xE  }
0xa9: {  	s5 =	sadd.s32 @p0 $0x11B8D, s5;
	s6 =	sshll.u32 @p0 s4, $0x11  }
0xaa: {  	s5 =	sor.u32 @p0 s6, s5  }
0xab: {  	[sflag:s5] =	ssyncadd.remote.s32 @p0 $0x1;
	_ =	sdelay $0x1  }
0xac: {  	s5 =	simm.s32 @p0 $0x1B8D  }
0xad: {  	_ =	swait.eq @p0 [sflag:s5], $0x1  }
0xae: {  	[sflag:s5] =	ssyncadd.s32 @p0 $0xFFFFFFFF  }
0xaf: {  	s6 =	sshll.u32 @!p0 s1, $0xE  }
0xb0: {  	s6 =	sor.u32 @!p0 $0x4000, s6;
	s5 =	simm.s32 @!p0 $0x1B8D  }
0xb1: {  	s4 =	sshll.u32 @!p0 s4, $0x11;
	s6 =	sadd.s32 @!p0 $0x11B8D, s6;
	_ =	swait.eq @!p0 [sflag:s5], $0x1  }
0xb2: {  	s4 =	sor.u32 @!p0 s4, s6;
	[sflag:s5] =	ssyncadd.s32 @!p0 $0xFFFFFFFF  }
0xb3: {  	s25 =	simm.s32 $0x1B8E;
	s24 =	sld [smem:$0x3FFE];
	[sflag:s4] =	ssyncadd.remote.s32 @!p0 $0x1  }
0xb4: {  	s26 =	simm.s32 $execute0_lowered;
	[smem:$0x3FD2] =	sst s25  }
0xb5: {  	s5 =	sshll.u32 s26, $0x1;
	_ =	strace $0x80000049;
	[dreg:$0x1] =	wrdreg $0xFFFFFFFF  }
0xb6: {  	s28 =	simm.s32 $_size_execute0_lowered;
	s3 =	sadd.s32 s3, s5;
	[dreg:$0x0] =	wrdreg $0x0  }
0xb7: {  	s5 =	sshll.u32 s28, $0x1;
	[dreg:$0x2] =	wrdreg s3  }
0xb8: {  	[dreg:$0x3] =	wrdreg s5  }
0xb9: {  	[dreg:$0x4] =	wrdreg $0xC0  }
0xba: {  	_ =	task [dreg:s22], $0x5FFFF  }
0xbb: {  	[dreg:$0x1] =	wrdreg $0xFFFFFFFF  }
0xbc: {  	[dreg:$0x0] =	wrdreg $0x60  }
0xbd: {  	[dreg:$0x2] =	wrdreg s24  }
0xbe: {  	[dreg:$0x3] =	wrdreg $0x8D000  }
0xbf: {  	[dreg:$0x4] =	wrdreg $0xA  }
0xc0: {  	_ =	task.clear_ibuf [dreg:s22], $0x5FFFF;
	_ =	strace $0x90000049  }
0xc1: {  	s29 =	simm.s32 $0xA;
	_ =	strace $0x8000004B  }
0xc2: {  	_ =	swait.ge [sflag:s29], $0x1  }
0xc3: {  	[sflag:s29] =	ssyncadd.s32 $0xFFFFFFFF  }
0xc4: {  	_ =	strace $0x9000004B  }
0xc5: {  	_ =	sfence  }
0xc6: {  	s30 =	sld [smem:$0x0];
	_ =	sdelay $0x2  }
0xc7: {  	s31 =	sshll.u32 s1, $0xD;
	s1 =	sshrl.u32 s1, $0x2  }
0xc8: {  	s4 =	sand.u32 $0x4000, s31;
	s1 =	sadd.s32 s1, s30  }
0xc9: {  	s0 =	sor.u32 s4, s0;
	s1 =	sshll.u32 s1, $0x11  }
0xca: {  	s0 =	sor.u32 s1, s0  }
0xcb: {  	s0 =	sadd.s32 $0x8F2B, s0  }
0xcc: {  	[sflag:s0] =	ssyncadd.remote.s32 $0x1  }
0xcd: {  	_ =	sfence.sel $0xFFFF  }
0xce: {  	[dreg:$0x0] =	wrdreg $0xFFFFFFFF;
	(pc) =	sbr.abs _section_cstart, $3  }
0xcf: {  	[dreg:$0x1] =	wrdreg $0xFFFFFFFF  }
0xd0: {  	_ =	task.clear_ibuf [dreg:s22], $0x2FFFF;
	_ =	strace $0x9FFFFFFF  }
0xd1: {  	(tm) =	ssettm $0x7FFFFFFF  }
tec
execute0_lowered:
.L_overlay_start_1:
0x0: {  	(tag) =	ssettag $0x1  }
0x1: {  	s0 =	rddreg [dreg:$0x0]  }
0x2: {  	s2 =	rddreg [dreg:$0x1];
	s3 =	simm.s32 $0x0  }
0x3: {  	s1 =	srdreg.scid;
	s11 =	stileid.u32;
	s15 =	simm.s32 $0x3  }
0x4: {  	s16 =	simm.s32 $0x800;
	s17 =	simm.s32 $0x7D;
	s18 =	simm.s32 $0x1000  }
0x5: {  	s20 =	simm.s32 $0x4E80;
	s21 =	simm.s32 $0x1;
	s14 =	simm.s32 $0x500  }
0x6: {  	s19 =	simm.s32 $0xC80;
	s22 =	simm.s32 $0x580;
	s28 =	simm.s32 $0x680  }
0x7: {  	s29 =	simm.s32 $0xE00;
	s30 =	simm.s32 $0x700;
	s31 =	simm.s32 $0xE80  }
0x8: {  	[smem:$0x7FF] =	sst s3;
	s1 =	sand.u32 $0x1, s1;
	s7 =	smul.u32 $0x13C00, s11  }
0x9: {  	s4 =	sadd.s32 $0x16600, s0;
	s5 =	sadd.s32 $0xC600, s0;
	s6 =	sadd.s32 $0x2000, s0  }
0xa: {  	s10 =	sadd.s32 $0x3DE00, s0;
	s25 =	sshll.u32 s11, $0x6;
	_ =	strace $0x8000004A  }
0xb: {  	s8 =	smul.u32 $0x13C000, s1;
	s9 =	sshll.u32 s1, $0x4;
	[dreg:$0x3] =	wrdreg s10  }
0xc: {  	s23 =	ssub.s32 $0x2, s1;
	s1 =	smul.u32 $0x28000, s1;
	s10 =	sor.u32 $0x1C03, s25  }
0xd: {  	s25 =	simm.s32 $0x600;
	s9 =	sor.u32 s11, s9;
	s11 =	smul.u32 $0x2800, s11  }
0xe: {  	s24 =	sshrl.u32 s23, $0x1;
	s8 =	sadd.s32 s7, s8;
	s9 =	smul.u32 $0x2800, s9  }
0xf: {  	s7 =	sadd.s32 s7, s2;
	s8 =	sshrl.u32 s8, $0x3;
	s1 =	sadd.s32 s11, s1  }
0x10: {  	s11 =	sshrl.u32 s7, $0x3;
	s7 =	simm.s32 $0xF80;
	s0 =	sadd.s32 s8, s0  }
0x11: {  	s8 =	ssub.s32 s23, s24;
	s9 =	sshrl.u32 s9, $0x3;
	s13 =	sadd.s32 $0x800, s1  }
.Ltmp0:
0x12: {  	s23 =	simm.s32 $0x2;
	s12 =	sadd.s32 s5, s9;
	(pc) =	sbr.rel .LBB2_1-.Ltmp0, $4  }
0x13: {  	s24 =	simm.s32 $0xD00;
	s9 =	sadd.s32 s6, s9;
	[dreg:$0x4] =	wrdreg s12  }
0x14: {  	s1 =	simm.s32 $0xF00;
	s0 =	sadd.s32 $0x40600, s0;
	[dreg:$0x5] =	wrdreg s9  }
0x15: {  	s26 =	smax.u32 s8, $0x1;
	s8 =	simm.s32 $0x0;
	[dreg:$0x6] =	wrdreg s0  }
0x16: {  	[dreg:$0x7] =	wrdreg s26;
	s26 =	simm.s32 $0xD80;
	s0 =	simm.s32 $0x780  }
.LBB2_4:
0x17: {  	[bflag:$0x0] =	sbarrier.arrive $0xFFFF  }
0x18: {  	s9 =	rddreg [dreg:$0x6]  }
0x19: {  	[hbm:s9], [sflag:s10] =	dma.local [spmem:s11], $0x2780  }
0x1a: {  	_ =	swait.ge [sflag:s15], $0x2780  }
0x1b: {  	s8 =	rddreg [dreg:$0x8]  }
0x1c: {  	s12 =	rddreg [dreg:$0x7];
	s8 =	sadd.s32 $0x1, s8  }
0x1d: {  	p0 =	sne.s32 s8, s12  }
.Ltmp1:
0x1e: {  	_ = 	snop;
	(pc) =	sbr.rel @!p0 .LBB2_5-.Ltmp1, $3  }
0x1f: {  	_ =	sdelay $0x1  }
0x20: {  	[sflag:s15] =	ssyncset.done $0x0  }
0x21: {  	[sflag:s15] =	ssyncadd.s32 $0xFFFFD880  }
.LBB2_1:
0x22: {  	[dreg:$0x8] =	wrdreg s8  }
0x23: {  	s9 =	rddreg [dreg:$0x3]  }
0x24: {  	[spmem:s11], [sflag:s10] =	dma.local [hbm:s9], $0x2780  }
0x25: {  	_ =	swait.ge [sflag:s15], $0x2780  }
0x26: {  	[sflag:s15] =	ssyncset.done $0x0  }
0x27: {  	[sflag:s15] =	ssyncadd.s32 $0xFFFFD880  }
0x28: {  	[bflag:$0x0] =	sbarrier.arrive $0xFFFF  }
0x29: {  	s12 =	rddreg [dreg:$0x4]  }
0x2a: {  	[tilespmem:s3], [sflag:$0x3] =	stream.linear.gather [hbm4b:s12+s3], $0x800, $0x38;
	[tilespmem:$0x1C900] =	vst v63  }
0x2b: {  	_ =	swait.ge [sflag:s15], $0x800  }
0x2c: {  	[sflag:s15] =	ssyncset.done $0x0  }
0x2d: {  	s8 =	rddreg [dreg:$0x5];
	[sflag:s15] =	ssyncadd.s32 $0xFFFFF800  }
0x2e: {  	[tilespmem:s16], [sflag:$0x3] =	stream.linear.gather [hbm4b:s8+s3], $0x800, $0x38;
	[tilespmem:$0x1C900] =	vst v63  }
0x2f: {  	_ =	swait.ge [sflag:s15], $0x800  }
0x30: {  	[sflag:s15] =	ssyncset.done $0x0  }
0x31: {  	[sflag:s15] =	ssyncadd.s32 $0xFFFFF800  }
0x32: {  	[tilespmem:s18], [sflag:$0x1] =	stream.indirect.gather [hbm4b:s4+s17], $0x80, s3, s17, $0xb8;
	[tilespmem:$0x1C900] =	vst v63  }
0x33: {  	s9 =	simm.s32 $0x0;
	s12 =	simm.s32 $0x80  }
0x34: {  	[tilespmem:s20], [sflag:$0x2] =	stream.indirect.gather [hbm4b:s4+s17], $0x80, s12, s17, $0xb8;
	[tilespmem:$0x1C900] =	vst v63  }
.LBB2_2:
0x35: {  	_ =	swait.ge [sflag:s21], $0x3E80  }
0x36: {  	[sflag:s21] =	ssyncset.done $0x0  }
0x37: {  	[sflag:s21] =	ssyncadd.s32 $0xFFFFC180  }
0x38: {  	[spmem:s2] =	stream.indirect.scatter.add.f32 [tilespmem:s18], [sflag:$0x3], $0x80, s16, s17, $0xb8;
	[tilespmem:$0x1C900] =	vst v63  }
0x39: {  	_ =	swait.ge [sflag:s15], $0x3E80  }
0x3a: {  	[sflag:s15] =	ssyncset.done $0x0  }
0x3b: {  	s8 =	simm.s32 $0x100;
	[sflag:s15] =	ssyncadd.s32 $0xFFFFC180  }
0x3c: {  	[tilespmem:s18], [sflag:$0x1] =	stream.indirect.gather [hbm4b:s4+s17], $0x80, s8, s17, $0xb8;
	[tilespmem:$0x1C900] =	vst v63  }
0x3d: {  	_ =	swait.ge [sflag:s23], $0x3E80  }
0x3e: {  	[sflag:s23] =	ssyncset.done $0x0  }
0x3f: {  	s12 =	simm.s32 $0x880;
	[sflag:s23] =	ssyncadd.s32 $0xFFFFC180  }
0x40: {  	[spmem:s2] =	stream.indirect.scatter.add.f32 [tilespmem:s20], [sflag:$0x3], $0x80, s12, s17, $0xb8;
	[tilespmem:$0x1C900] =	vst v63  }
0x41: {  	_ =	swait.ge [sflag:s15], $0x3E80  }
0x42: {  	[sflag:s15] =	ssyncset.done $0x0  }
0x43: {  	s12 =	simm.s32 $0x180;
	[sflag:s15] =	ssyncadd.s32 $0xFFFFC180  }
0x44: {  	[tilespmem:s20], [sflag:$0x2] =	stream.indirect.gather [hbm4b:s4+s17], $0x80, s12, s17, $0xb8;
	[tilespmem:$0x1C900] =	vst v63  }
0x45: {  	_ =	swait.ge [sflag:s21], $0x3E80  }
0x46: {  	[sflag:s21] =	ssyncset.done $0x0  }
0x47: {  	s12 =	simm.s32 $0x900;
	[sflag:s21] =	ssyncadd.s32 $0xFFFFC180  }
0x48: {  	[spmem:s2] =	stream.indirect.scatter.add.f32 [tilespmem:s18], [sflag:$0x3], $0x80, s12, s17, $0xb8;
	[tilespmem:$0x1C900] =	vst v63  }
0x49: {  	_ =	swait.ge [sflag:s15], $0x3E80  }
0x4a: {  	[sflag:s15] =	ssyncset.done $0x0  }
0x4b: {  	s12 =	simm.s32 $0x200;
	[sflag:s15] =	ssyncadd.s32 $0xFFFFC180  }
0x4c: {  	[tilespmem:s18], [sflag:$0x1] =	stream.indirect.gather [hbm4b:s4+s17], $0x80, s12, s17, $0xb8;
	[tilespmem:$0x1C900] =	vst v63  }
0x4d: {  	_ =	swait.ge [sflag:s23], $0x3E80  }
0x4e: {  	[sflag:s23] =	ssyncset.done $0x0  }
0x4f: {  	s12 =	simm.s32 $0x980;
	[sflag:s23] =	ssyncadd.s32 $0xFFFFC180  }
0x50: {  	[spmem:s2] =	stream.indirect.scatter.add.f32 [tilespmem:s20], [sflag:$0x3], $0x80, s12, s17, $0xb8;
	[tilespmem:$0x1C900] =	vst v63  }
0x51: {  	_ =	swait.ge [sflag:s15], $0x3E80  }
0x52: {  	[sflag:s15] =	ssyncset.done $0x0  }
0x53: {  	s12 =	simm.s32 $0x280;
	[sflag:s15] =	ssyncadd.s32 $0xFFFFC180  }
0x54: {  	[tilespmem:s20], [sflag:$0x2] =	stream.indirect.gather [hbm4b:s4+s17], $0x80, s12, s17, $0xb8;
	[tilespmem:$0x1C900] =	vst v63  }
0x55: {  	_ =	swait.ge [sflag:s21], $0x3E80  }
0x56: {  	[sflag:s21] =	ssyncset.done $0x0  }
0x57: {  	s12 =	simm.s32 $0xA00;
	[sflag:s21] =	ssyncadd.s32 $0xFFFFC180  }
0x58: {  	[spmem:s2] =	stream.indirect.scatter.add.f32 [tilespmem:s18], [sflag:$0x3], $0x80, s12, s17, $0xb8;
	[tilespmem:$0x1C900] =	vst v63  }
0x59: {  	_ =	swait.ge [sflag:s15], $0x3E80  }
0x5a: {  	[sflag:s15] =	ssyncset.done $0x0  }
0x5b: {  	s12 =	simm.s32 $0x300;
	[sflag:s15] =	ssyncadd.s32 $0xFFFFC180  }
0x5c: {  	[tilespmem:s18], [sflag:$0x1] =	stream.indirect.gather [hbm4b:s4+s17], $0x80, s12, s17, $0xb8;
	[tilespmem:$0x1C900] =	vst v63  }
0x5d: {  	_ =	swait.ge [sflag:s23], $0x3E80  }
0x5e: {  	[sflag:s23] =	ssyncset.done $0x0  }
0x5f: {  	s12 =	simm.s32 $0xA80;
	[sflag:s23] =	ssyncadd.s32 $0xFFFFC180  }
0x60: {  	[spmem:s2] =	stream.indirect.scatter.add.f32 [tilespmem:s20], [sflag:$0x3], $0x80, s12, s17, $0xb8;
	[tilespmem:$0x1C900] =	vst v63  }
0x61: {  	_ =	swait.ge [sflag:s15], $0x3E80  }
0x62: {  	[sflag:s15] =	ssyncset.done $0x0  }
0x63: {  	s12 =	simm.s32 $0x380;
	[sflag:s15] =	ssyncadd.s32 $0xFFFFC180  }
0x64: {  	[tilespmem:s20], [sflag:$0x2] =	stream.indirect.gather [hbm4b:s4+s17], $0x80, s12, s17, $0xb8;
	[tilespmem:$0x1C900] =	vst v63  }
0x65: {  	_ =	swait.ge [sflag:s21], $0x3E80  }
0x66: {  	[sflag:s21] =	ssyncset.done $0x0  }
0x67: {  	s12 =	simm.s32 $0xB00;
	[sflag:s21] =	ssyncadd.s32 $0xFFFFC180  }
0x68: {  	[spmem:s2] =	stream.indirect.scatter.add.f32 [tilespmem:s18], [sflag:$0x3], $0x80, s12, s17, $0xb8;
	[tilespmem:$0x1C900] =	vst v63  }
0x69: {  	_ =	swait.ge [sflag:s15], $0x3E80  }
0x6a: {  	[sflag:s15] =	ssyncset.done $0x0  }
0x6b: {  	s12 =	simm.s32 $0x400;
	[sflag:s15] =	ssyncadd.s32 $0xFFFFC180  }
0x6c: {  	[tilespmem:s18], [sflag:$0x1] =	stream.indirect.gather [hbm4b:s4+s17], $0x80, s12, s17, $0xb8;
	[tilespmem:$0x1C900] =	vst v63  }
0x6d: {  	_ =	swait.ge [sflag:s23], $0x3E80  }
0x6e: {  	[sflag:s23] =	ssyncset.done $0x0  }
0x6f: {  	s12 =	simm.s32 $0xB80;
	[sflag:s23] =	ssyncadd.s32 $0xFFFFC180  }
0x70: {  	[spmem:s2] =	stream.indirect.scatter.add.f32 [tilespmem:s20], [sflag:$0x3], $0x80, s12, s17, $0xb8;
	[tilespmem:$0x1C900] =	vst v63  }
0x71: {  	_ =	swait.ge [sflag:s15], $0x3E80  }
0x72: {  	[sflag:s15] =	ssyncset.done $0x0  }
0x73: {  	s12 =	simm.s32 $0x480;
	[sflag:s15] =	ssyncadd.s32 $0xFFFFC180  }
0x74: {  	[tilespmem:s20], [sflag:$0x2] =	stream.indirect.gather [hbm4b:s4+s17], $0x80, s12, s17, $0xb8;
	[tilespmem:$0x1C900] =	vst v63  }
0x75: {  	_ =	swait.ge [sflag:s21], $0x3E80  }
0x76: {  	[sflag:s21] =	ssyncset.done $0x0  }
0x77: {  	s12 =	simm.s32 $0xC00;
	[sflag:s21] =	ssyncadd.s32 $0xFFFFC180  }
0x78: {  	[spmem:s2] =	stream.indirect.scatter.add.f32 [tilespmem:s18], [sflag:$0x3], $0x80, s12, s17, $0xb8;
	[tilespmem:$0x1C900] =	vst v63  }
0x79: {  	_ =	swait.ge [sflag:s15], $0x3E80  }
0x7a: {  	[sflag:s15] =	ssyncset.done $0x0  }
0x7b: {  	[sflag:s15] =	ssyncadd.s32 $0xFFFFC180  }
0x7c: {  	[tilespmem:s18], [sflag:$0x1] =	stream.indirect.gather [hbm4b:s4+s17], $0x80, s14, s17, $0xb8;
	[tilespmem:$0x1C900] =	vst v63  }
0x7d: {  	_ =	swait.ge [sflag:s23], $0x3E80  }
0x7e: {  	[sflag:s23] =	ssyncset.done $0x0  }
0x7f: {  	[sflag:s23] =	ssyncadd.s32 $0xFFFFC180  }
0x80: {  	[spmem:s2] =	stream.indirect.scatter.add.f32 [tilespmem:s20], [sflag:$0x3], $0x80, s19, s17, $0xb8;
	[tilespmem:$0x1C900] =	vst v63  }
0x81: {  	_ =	swait.ge [sflag:s15], $0x3E80  }
0x82: {  	[sflag:s15] =	ssyncset.done $0x0  }
0x83: {  	[sflag:s15] =	ssyncadd.s32 $0xFFFFC180  }
0x84: {  	[tilespmem:s20], [sflag:$0x2] =	stream.indirect.gather [hbm4b:s4+s17], $0x80, s22, s17, $0xb8;
	[tilespmem:$0x1C900] =	vst v63  }
0x85: {  	_ =	swait.ge [sflag:s21], $0x3E80  }
0x86: {  	[sflag:s21] =	ssyncset.done $0x0  }
0x87: {  	[sflag:s21] =	ssyncadd.s32 $0xFFFFC180  }
0x88: {  	[spmem:s2] =	stream.indirect.scatter.add.f32 [tilespmem:s18], [sflag:$0x3], $0x80, s24, s17, $0xb8;
	[tilespmem:$0x1C900] =	vst v63  }
0x89: {  	_ =	swait.ge [sflag:s15], $0x3E80  }
0x8a: {  	[sflag:s15] =	ssyncset.done $0x0  }
0x8b: {  	[sflag:s15] =	ssyncadd.s32 $0xFFFFC180  }
0x8c: {  	[tilespmem:s18], [sflag:$0x1] =	stream.indirect.gather [hbm4b:s4+s17], $0x80, s25, s17, $0xb8;
	[tilespmem:$0x1C900] =	vst v63  }
0x8d: {  	_ =	swait.ge [sflag:s23], $0x3E80  }
0x8e: {  	[sflag:s23] =	ssyncset.done $0x0  }
0x8f: {  	[sflag:s23] =	ssyncadd.s32 $0xFFFFC180  }
0x90: {  	[spmem:s2] =	stream.indirect.scatter.add.f32 [tilespmem:s20], [sflag:$0x3], $0x80, s26, s17, $0xb8;
	[tilespmem:$0x1C900] =	vst v63  }
0x91: {  	_ =	swait.ge [sflag:s15], $0x3E80  }
0x92: {  	[sflag:s15] =	ssyncset.done $0x0  }
0x93: {  	[sflag:s15] =	ssyncadd.s32 $0xFFFFC180  }
0x94: {  	[tilespmem:s20], [sflag:$0x2] =	stream.indirect.gather [hbm4b:s4+s17], $0x80, s28, s17, $0xb8;
	[tilespmem:$0x1C900] =	vst v63  }
0x95: {  	_ =	swait.ge [sflag:s21], $0x3E80  }
0x96: {  	[sflag:s21] =	ssyncset.done $0x0  }
0x97: {  	[sflag:s21] =	ssyncadd.s32 $0xFFFFC180  }
0x98: {  	[spmem:s2] =	stream.indirect.scatter.add.f32 [tilespmem:s18], [sflag:$0x3], $0x80, s29, s17, $0xb8;
	[tilespmem:$0x1C900] =	vst v63  }
0x99: {  	_ =	swait.ge [sflag:s15], $0x3E80  }
0x9a: {  	[sflag:s15] =	ssyncset.done $0x0  }
0x9b: {  	[sflag:s15] =	ssyncadd.s32 $0xFFFFC180  }
0x9c: {  	[tilespmem:s18], [sflag:$0x1] =	stream.indirect.gather [hbm4b:s4+s17], $0x80, s30, s17, $0xb8;
	[tilespmem:$0x1C900] =	vst v63  }
0x9d: {  	_ =	swait.ge [sflag:s23], $0x3E80  }
0x9e: {  	[sflag:s23] =	ssyncset.done $0x0  }
0x9f: {  	[sflag:s23] =	ssyncadd.s32 $0xFFFFC180  }
0xa0: {  	[spmem:s2] =	stream.indirect.scatter.add.f32 [tilespmem:s20], [sflag:$0x3], $0x80, s31, s17, $0xb8;
	[tilespmem:$0x1C900] =	vst v63  }
0xa1: {  	_ =	swait.ge [sflag:s15], $0x3E80  }
0xa2: {  	[sflag:s15] =	ssyncset.done $0x0  }
0xa3: {  	[sflag:s15] =	ssyncadd.s32 $0xFFFFC180  }
0xa4: {  	[tilespmem:s20], [sflag:$0x2] =	stream.indirect.gather [hbm4b:s4+s17], $0x80, s0, s17, $0xb8;
	[tilespmem:$0x1C900] =	vst v63  }
0xa5: {  	_ =	swait.ge [sflag:s21], $0x3E80  }
0xa6: {  	[sflag:s21] =	ssyncset.done $0x0  }
0xa7: {  	[sflag:s21] =	ssyncadd.s32 $0xFFFFC180  }
0xa8: {  	[spmem:s2] =	stream.indirect.scatter.add.f32 [tilespmem:s18], [sflag:$0x3], $0x80, s1, s17, $0xb8;
	[tilespmem:$0x1C900] =	vst v63  }
0xa9: {  	_ =	swait.ge [sflag:s15], $0x3E80  }
0xaa: {  	[sflag:s15] =	ssyncset.done $0x0  }
0xab: {  	[sflag:s15] =	ssyncadd.s32 $0xFFFFC180  }
0xac: {  	_ =	swait.ge [sflag:s23], $0x3E80  }
0xad: {  	p0 =	seq.s32 s9, $0x2000;
	[sflag:s23] =	ssyncset.done $0x0  }
.Ltmp2:
0xae: {  	[sflag:s23] =	ssyncadd.s32 $0xFFFFC180;
	(pc) =	sbr.rel @p0 .LBB2_4-.Ltmp2, $4  }
0xaf: {  	[spmem:s2] =	stream.indirect.scatter.add.f32 [tilespmem:s20], [sflag:$0x3], $0x80, s7, s17, $0xb8;
	[tilespmem:$0x1C900] =	vst v63  }
0xb0: {  	_ =	swait.ge [sflag:s15], $0x3E80  }
0xb1: {  	[sflag:s15] =	ssyncset.done $0x0  }
0xb2: {  	[sflag:s15] =	ssyncadd.s32 $0xFFFFC180  }
0xb3: {  	s8 =	sadd.s32 s9, s13  }
0xb4: {  	s12 =	smov.u32 s10;
	s10 =	sshrl.u32 s8, $0x3  }
0xb5: {  	s8 =	smov.u32 s11;
	s11 =	sadd.s32 s5, s10  }
0xb6: {  	[tilespmem:s3], [sflag:$0x3] =	stream.linear.gather [hbm4b:s11+s3], $0x800, $0x38;
	[tilespmem:$0x1C900] =	vst v63  }
0xb7: {  	_ =	swait.ge [sflag:s15], $0x800  }
0xb8: {  	[sflag:s15] =	ssyncset.done $0x0  }
0xb9: {  	s10 =	sadd.s32 s6, s10;
	[sflag:s15] =	ssyncadd.s32 $0xFFFFF800  }
0xba: {  	[tilespmem:s16], [sflag:$0x3] =	stream.linear.gather [hbm4b:s10+s3], $0x800, $0x38;
	[tilespmem:$0x1C900] =	vst v63  }
0xbb: {  	_ =	swait.ge [sflag:s15], $0x800  }
.Ltmp3:
0xbc: {  	[sflag:s15] =	ssyncset.done $0x0;
	(pc) =	sbr.rel .LBB2_2-.Ltmp3, $4  }
0xbd: {  	s9 =	sadd.s32 $0x800, s9;
	[sflag:s15] =	ssyncadd.s32 $0xFFFFF800  }
0xbe: {  	[tilespmem:s18], [sflag:$0x1] =	stream.indirect.gather [hbm4b:s4+s17], $0x80, s3, s17, $0xb8;
	[tilespmem:$0x1C900] =	vst v63  }
0xbf: {  	s11 =	smov.u32 s8;
	s10 =	smov.u32 s12;
	s12 =	simm.s32 $0x80  }
0xc0: {  	[tilespmem:s20], [sflag:$0x2] =	stream.indirect.gather [hbm4b:s4+s17], $0x80, s12, s17, $0xb8;
	[tilespmem:$0x1C900] =	vst v63  }
.LBB2_5:
0xc1: {  	_ =	sfence.sel $0x180000  }
0xc2: {  	[bflag:$0x0] =	sbarrier.arrive $0xFFFF  }
0xc3: {  	_ =	strace $0x9000004A  }
0xc4: {  	s0 =	stileid.u32;
	[bflag:$0x2] =	sbarrier.arrive $0xFFFF  }
0xc5: {  	p0 =	sne.s32 s0, $0x0;
	s0 =	rddreg [dreg:$0x2]  }
0xc6: {  	s0 =	sadd.s32 @!p0 $0x100000, s0  }
0xc7: {  	[sflag:s0] =	ssyncadd.tile.s32 @!p0 $0x1;
	_ =	shalt  }
.Lfunc_end2:
_tile_overlayer_lowered:
.L_overlay_start_2:
0xc8: {  	(tag) =	ssettag $0x2  }
0xc9: {  	s0 =	rddreg [dreg:$0x0];
	s2 =	stileid.u32  }
0xca: {  	s1 =	rddreg [dreg:$0x1];
	p0 =	sne.s32 s2, $0x0  }
0xcb: {  	s3 =	rddreg [dreg:$0x2];
	[bflag:$0x3] =	sbarrier.arrive $0xFFFF;
	s2 =	simm.s32 @!p0 $0x1C03  }
0xcc: {  	[timem:s3], [sflag:s2] =	dma.local @!p0 [hbm:s0], s1  }
0xcd: {  	s0 =	simm.s32 @!p0 $0x3  }
0xce: {  	_ =	swait.ge @!p0 [sflag:s0], s1  }
0xcf: {  	s1 =	ssub.s32 @!p0 $0x0, s1;
	[sflag:s0] =	ssyncset.done @!p0 $0x0  }
0xd0: {  	[sflag:s0] =	ssyncadd.s32 @!p0 s1  }
0xd1: {  	[bflag:$0x3] =	sbarrier.arrive $0xFFFF  }
0xd2: {  	_ =	shalt  }

// kernel: kernel.14.cloned.1.call-start
scs
__scs_entry_jumppad:
0x0: {  	(pc) =	sbr.rel $0x88, $3  }
0x1: {  	(tag) =	ssettag $0x0;
	lr =	simm.s32 $0x1  }
0x2: {  	[smem:$0x3F98] =	sst lr;
	_ =	strace $0xD0000000  }
0x3: {  	_ = 	snop  }
0x4: {  	_ = 	snop  }
0x5: {  	_ = 	snop  }
0x6: {  	_ = 	snop  }
0x7: {  	_ = 	snop  }
__scs_overlays_trampoline_lowered:
0x8: {  	[smem:$0x3FA7] =	sst s0  }
0x9: {  	[smem:$0x3FA8] =	sst s1  }
0xa: {  	[smem:$0x3FA9] =	sst s2  }
0xb: {  	[smem:$0x3FAA] =	sst s3  }
0xc: {  	[smem:$0x3FAB] =	sst s4  }
0xd: {  	[smem:$0x3FAC] =	sst s5  }
0xe: {  	[smem:$0x3FAD] =	sst s6  }
0xf: {  	[smem:$0x3FAE] =	sst s7  }
0x10: {  	[smem:$0x3FAF] =	sst s8  }
0x11: {  	[smem:$0x3FB0] =	sst s9;
	s0 =	simm.s32 @!p0 $0x0  }
0x12: {  	s1 =	sld [smem:$0x3F96];
	s0 =	simm.s32 @p0 $0x1  }
0x13: {  	[smem:$0x3FB1] =	sst s0;
	s0 =	simm.s32 @!p1 $0x0  }
0x14: {  	s2 =	sld [smem:$0x3F95];
	s0 =	simm.s32 @p1 $0x1  }
0x15: {  	[smem:$0x3FB2] =	sst s0;
	s0 =	simm.s32 @!p2 $0x0  }
0x16: {  	s3 =	sld [smem:$0x3FDB];
	s0 =	simm.s32 @p2 $0x1  }
0x17: {  	s4 =	simm.s32 $0x1BF5;
	[smem:$0x3FB4] =	sst s0  }
0x18: {  	s0 =	sld [smem:$0x3F97];
	_ =	swait.ge [sflag:s4], $0x0  }
0x19: {  	s7 =	sld [smem:$0x3F98]  }
0x1a: {  	s8 =	sadd.s32 $0xFFFFE003, lr  }
0x1b: {  	s9 =	sadd.s32 $0xFFFFFEF7, lr;
	s5 =	simm.s32 $0xFFFFFFFF;
	p2 =	slt.u32 s8, $0xFFFFF086  }
0x1c: {  	p1 =	slt.u32 s9, $0xF7A;
	s5 =	simm.s32 @!p2 $0x0  }
0x1d: {  	s5 =	simm.s32 @p1 $0x1;
	p0 =	seq.s32 s7, s2  }
0x1e: {  	s7 =	smul.u32 @!p0 $0xF7A, s2;
	p2 =	seq.s32 @!p0 s5, $0x0  }
0x1f: {  	s9 =	smul.u32 $0xF7A, s1;
	s8 =	simm.s32 @!p0 $0x1BF5;
	p2 =	por !p2, p0  }
0x20: {  	[sflag:s8] =	ssyncset.s32 @!p0 $0xFFFFF086;
	s6 =	sadd.s32 @!p0 s3, s7;
	s7 =	simm.s32 @!p0 $0x108  }
0x21: {  	s3 =	sadd.s32 s3, s9;
	s6 =	sadd.s32 @!p0 $0x88, s6;
	s7 =	simm.s32 @p2 $0x1082  }
0x22: {  	[simem:s7], [sflag:s8] =	dma.local @!p0 [hbm:s6], $0xF7A  }
0x23: {  	s9 =	sor.u32 $0xD0000000, s2;
	s6 =	simm.s32 $0x108;
	_ =	swait.ge @!p0 [sflag:s8], $0x0  }
0x24: {  	s3 =	sadd.s32 $0x88, s3;
	s6 =	simm.s32 @!p1 $0x1082;
	[sflag:s4] =	ssyncset.s32 $0xFFFFF086  }
0x25: {  	[simem:s6], [sflag:s4] =	dma.local [hbm:s3], $0xF7A  }
0x26: {  	[smem:$0x3F98] =	sst s1;
	(tag) =	ssettag s2;
	_ =	strace s9  }
0x27: {  	s1 =	sld [smem:$0x3FA8]  }
0x28: {  	s2 =	sld [smem:$0x3FA9]  }
0x29: {  	s4 =	sld [smem:$0x3FAB]  }
0x2a: {  	p0 =	seq.s32 s5, $0x0;
	s5 =	sld [smem:$0x3FAC]  }
0x2b: {  	s6 =	sld [smem:$0x3FAD]  }
0x2c: {  	s7 =	sld [smem:$0x3FAE]  }
0x2d: {  	s3 =	simm.s32 $0x108;
	s8 =	sld [smem:$0x3FAF]  }
0x2e: {  	s3 =	simm.s32 @!p0 $0x1082;
	s9 =	sld [smem:$0x3FB0]  }
0x2f: {  	lr =	sadd.s32 s0, s3;
	s0 =	sld [smem:$0x3FA7]  }
0x30: {  	s3 =	sld [smem:$0x3FAA]  }
0x31: {  	[smem:$0x3FB3] =	sst s10  }
0x32: {  	s10 =	sld [smem:$0x3FB1];
	_ =	sdelay $0x3  }
0x33: {  	p0 =	seq.s32 s10, $0x1;
	s10 =	sld [smem:$0x3FB3];
	_ =	sdelay $0x3  }
0x34: {  	[smem:$0x3FB3] =	sst s10  }
0x35: {  	s10 =	sld [smem:$0x3FB2];
	_ =	sdelay $0x3  }
0x36: {  	p1 =	seq.s32 s10, $0x1;
	s10 =	sld [smem:$0x3FB3];
	_ =	sdelay $0x3  }
0x37: {  	[smem:$0x3FB3] =	sst s10  }
0x38: {  	s10 =	sld [smem:$0x3FB4]  }
0x39: {  	_ = 	snop;
	(pc) =	sbr.ind lr, $3  }
0x3a: {  	_ = 	snop  }
0x3b: {  	_ = 	snop  }
0x3c: {  	p2 =	seq.s32 s10, $0x1;
	s10 =	sld [smem:$0x3FB3]  }
0x3d: {  	_ =	shalt  }
0x3e: {  	_ =	shalt  }
0x3f: {  	_ =	shalt  }
0x40: {  	_ =	shalt  }
0x41: {  	_ =	shalt  }
0x42: {  	_ =	shalt  }
0x43: {  	_ =	shalt  }
0x44: {  	_ =	shalt  }
0x45: {  	_ =	shalt  }
0x46: {  	_ =	shalt  }
0x47: {  	_ =	shalt  }
0x48: {  	_ =	shalt  }
0x49: {  	_ =	shalt  }
0x4a: {  	_ =	shalt  }
0x4b: {  	_ =	shalt  }
0x4c: {  	_ =	shalt  }
0x4d: {  	_ =	shalt  }
0x4e: {  	_ =	shalt  }
0x4f: {  	_ =	shalt  }
0x50: {  	_ =	shalt  }
0x51: {  	_ =	shalt  }
0x52: {  	_ =	shalt  }
0x53: {  	_ =	shalt  }
0x54: {  	_ =	shalt  }
0x55: {  	_ =	shalt  }
0x56: {  	_ =	shalt  }
0x57: {  	_ =	shalt  }
0x58: {  	_ =	shalt  }
0x59: {  	_ =	shalt  }
0x5a: {  	_ =	shalt  }
0x5b: {  	_ =	shalt  }
0x5c: {  	_ =	shalt  }
0x5d: {  	_ =	shalt  }
0x5e: {  	_ =	shalt  }
0x5f: {  	_ =	shalt  }
0x60: {  	_ =	shalt  }
0x61: {  	_ =	shalt  }
0x62: {  	_ =	shalt  }
0x63: {  	_ =	shalt  }
0x64: {  	_ =	shalt  }
0x65: {  	_ =	shalt  }
0x66: {  	_ =	shalt  }
0x67: {  	_ =	shalt  }
0x68: {  	_ =	shalt  }
0x69: {  	_ =	shalt  }
0x6a: {  	_ =	shalt  }
0x6b: {  	_ =	shalt  }
0x6c: {  	_ =	shalt  }
0x6d: {  	_ =	shalt  }
0x6e: {  	_ =	shalt  }
0x6f: {  	_ =	shalt  }
0x70: {  	_ =	shalt  }
0x71: {  	_ =	shalt  }
0x72: {  	_ =	shalt  }
0x73: {  	_ =	shalt  }
0x74: {  	_ =	shalt  }
0x75: {  	_ =	shalt  }
0x76: {  	_ =	shalt  }
0x77: {  	_ =	shalt  }
0x78: {  	_ =	shalt  }
0x79: {  	_ =	shalt  }
0x7a: {  	_ =	shalt  }
0x7b: {  	_ =	shalt  }
0x7c: {  	_ =	shalt  }
0x7d: {  	_ =	shalt  }
0x7e: {  	_ =	shalt  }
0x7f: {  	_ =	shalt  }
0x80: {  	_ =	shalt  }
0x81: {  	_ =	shalt  }
0x82: {  	_ =	shalt  }
0x83: {  	_ =	shalt  }
0x84: {  	_ =	shalt  }
0x85: {  	_ =	shalt  }
0x86: {  	_ =	shalt  }
0x87: {  	_ =	shalt  }
.Lfunc_end0:
.L_simem_size_0:
called_computation.2_lowered:
.L_overlay_start_0:
0x88: {  	s2 =	sld [smem:$0x3FD9]  }
0x89: {  	s3 =	sld [smem:$0x3FFE];
	_ =	sdelay $0x1  }
0x8a: {  	s1 =	srdreg.scid  }
0x8b: {  	s0 =	sand.u32 $0x1, s1  }
0x8c: {  	s17 =	sshll.u32 s0, $0xA;
	s2 =	sadd.s32 s3, s2  }
0x8d: {  	s2 =	sadd.s32 s2, s17  }
0x8e: {  	[smem:$0x3FBF] =	sst s2  }
0x8f: {  	_ = 	snop  }
0x90: {  	s2 =	sld [smem:$0x3FD0];
	(tm) =	ssettm $0x1  }
0x91: {  	s18 =	sld [smem:$0x3FFB];
	_ =	sdelay $0x3  }
0x92: {  	_ =	strace s18  }
0x93: {  	s3 =	sld [smem:$0x3FFC];
	_ =	sdelay $0x3  }
0x94: {  	_ =	strace s3  }
0x95: {  	s3 =	sld [smem:$0x3FFD];
	_ =	sdelay $0x3  }
0x96: {  	_ =	strace s3  }
0x97: {  	_ =	strace $0x8FFFFFFF  }
0x98: {  	s19 =	sld [smem:$0x3FDB];
	_ =	sdelay $0x1  }
0x99: {  	s4 =	simm.s32 $_scs_section_size  }
0x9a: {  	s5 =	simm.s32 $_size__tile_overlayer_lowered;
	s6 =	simm.s32 $_tile_overlayer_lowered  }
0x9b: {  	s22 =	simm.s32 $0x1BFF;
	s21 =	sshll.u32 s6, $0x1;
	s3 =	sadd.s32 s4, s19  }
0x9c: {  	s7 =	simm.s32 $0x0;
	s20 =	sshll.u32 s5, $0x1;
	s5 =	sadd.s32 s21, s3  }
0x9d: {  	[timem:s7], [sflag:s22] =	dma.local [hbm:s5], s20  }
0x9e: {  	_ =	swait.ge [sflag:s22], s20  }
0x9f: {  	s4 =	ssub.s32 $0x0, s20;
	[sflag:s22] =	ssyncset.done $0x0  }
0xa0: {  	[sflag:s22] =	ssyncadd.s32 s4;
	_ =	sdelay $0x1  }
0xa1: {  	s23 =	simm.s32 $0x1B8B  }
0xa2: {  	_ =	swait.ge [sflag:s23], $0x1  }
0xa3: {  	[sflag:s23] =	ssyncset.done $0x0  }
0xa4: {  	s25 =	simm.s32 $0x1B8E;
	s24 =	sld [smem:$0x3FFE];
	[sflag:s23] =	ssyncadd.s32 $0xFFFFFFFF  }
0xa5: {  	s26 =	simm.s32 $execute0_lowered;
	[smem:$0x3FD2] =	sst s25  }
0xa6: {  	s5 =	sshll.u32 s26, $0x1;
	_ =	strace $0x8000004C;
	[dreg:$0x1] =	wrdreg $0xFFFFFFFF  }
0xa7: {  	s28 =	simm.s32 $_size_execute0_lowered;
	s3 =	sadd.s32 s3, s5;
	[dreg:$0x0] =	wrdreg $0x0  }
0xa8: {  	s5 =	sshll.u32 s28, $0x1;
	[dreg:$0x2] =	wrdreg s3  }
0xa9: {  	[dreg:$0x3] =	wrdreg s5  }
0xaa: {  	[dreg:$0x4] =	wrdreg $0xC0  }
0xab: {  	_ =	task [dreg:s7], $0x5FFFF  }
0xac: {  	[dreg:$0x1] =	wrdreg $0xFFFFFFFF  }
0xad: {  	[dreg:$0x0] =	wrdreg $0x60  }
0xae: {  	[dreg:$0x2] =	wrdreg s2  }
0xaf: {  	[dreg:$0x3] =	wrdreg s24  }
0xb0: {  	[dreg:$0x4] =	wrdreg $0x8D000  }
0xb1: {  	[dreg:$0x5] =	wrdreg $0x9  }
0xb2: {  	_ =	task.clear_ibuf [dreg:s7], $0x6FFFF;
	_ =	strace $0x9000004C  }
0xb3: {  	s29 =	simm.s32 $0x9;
	_ =	strace $0x8000004E  }
0xb4: {  	_ =	swait.ge [sflag:s29], $0x1  }
0xb5: {  	[sflag:s29] =	ssyncadd.s32 $0xFFFFFFFF  }
0xb6: {  	_ =	strace $0x9000004E  }
0xb7: {  	_ =	sfence  }
0xb8: {  	s30 =	sld [smem:$0x0];
	_ =	sdelay $0x2  }
0xb9: {  	s31 =	sshll.u32 s1, $0xD;
	s1 =	sshrl.u32 s1, $0x2  }
0xba: {  	s3 =	sand.u32 $0x4000, s31;
	s1 =	sadd.s32 s1, s30  }
0xbb: {  	s0 =	sor.u32 s3, s0;
	s1 =	sshll.u32 s1, $0x11  }
0xbc: {  	s0 =	sor.u32 s1, s0  }
0xbd: {  	s0 =	sadd.s32 $0x8F2B, s0  }
0xbe: {  	[sflag:s0] =	ssyncadd.remote.s32 $0x1  }
0xbf: {  	_ =	sfence.sel $0xFFFF  }
0xc0: {  	[dreg:$0x0] =	wrdreg $0xFFFFFFFF;
	(pc) =	sbr.abs _section_cstart, $3  }
0xc1: {  	[dreg:$0x1] =	wrdreg $0xFFFFFFFF  }
0xc2: {  	_ =	task.clear_ibuf [dreg:s7], $0x2FFFF;
	_ =	strace $0x9FFFFFFF  }
0xc3: {  	(tm) =	ssettm $0x7FFFFFFF  }
tec
execute0_lowered:
.L_overlay_start_1:
0x0: {  	(tag) =	ssettag $0x1  }
0x1: {  	s1 =	rddreg [dreg:$0x0]  }
0x2: {  	s0 =	rddreg [dreg:$0x1]  }
0x3: {  	s3 =	rddreg [dreg:$0x2]  }
0x4: {  	s4 =	simm.s32 $0x0;
	s2 =	srdreg.scid;
	s12 =	stileid.u32  }
0x5: {  	s15 =	simm.s32 $0x5;
	s16 =	simm.s32 $0x800;
	s17 =	simm.s32 $0x7D  }
0x6: {  	s18 =	simm.s32 $0x1000;
	s20 =	simm.s32 $0x2F40;
	s28 =	simm.s32 $0x2  }
0x7: {  	s31 =	simm.s32 $0x3;
	s14 =	simm.s32 $0xE80;
	s19 =	simm.s32 $0xF00  }
0x8: {  	[smem:$0x7FF] =	sst s4;
	s2 =	sand.u32 $0x1, s2;
	s7 =	smul.u32 $0x9E00, s12  }
0x9: {  	s5 =	sadd.s32 $0xC600, s0;
	s6 =	sadd.s32 $0x2000, s0;
	s9 =	sadd.s32 $0x16600, s0  }
0xa: {  	s23 =	sshll.u32 s12, $0x6;
	s24 =	smul.u32 $0x2800, s12;
	_ =	strace $0x8000004D  }
0xb: {  	s8 =	smul.u32 $0x9E000, s2;
	[dreg:$0x4] =	wrdreg s9;
	s21 =	sshll.u32 s2, $0x4  }
0xc: {  	s10 =	ssub.s32 $0x2, s2;
	s2 =	smul.u32 $0x28000, s2;
	s23 =	sor.u32 $0x1C05, s23  }
0xd: {  	s9 =	sor.u32 s12, s21;
	s11 =	sshrl.u32 s10, $0x1;
	s12 =	simm.s32 $0x780  }
0xe: {  	s21 =	simm.s32 $0xF80;
	[dreg:$0x5] =	wrdreg s23;
	s8 =	sadd.s32 s7, s8  }
0xf: {  	s9 =	smul.u32 $0x2800, s9;
	s22 =	ssub.s32 s10, s11;
	s7 =	sadd.s32 s7, s3  }
0x10: {  	s26 =	sadd.s32 s24, s2;
	s24 =	simm.s32 $0x6DC0;
	s2 =	simm.s32 $0x680  }
0x11: {  	s10 =	simm.s32 $0x700;
	s11 =	simm.s32 $0xD80;
	s8 =	sshrl.u32 s8, $0x3  }
0x12: {  	s30 =	smax.u32 s22, $0x1;
	s13 =	sadd.s32 $0x800, s26;
	s29 =	sshrl.u32 s7, $0x3  }
0x13: {  	s26 =	simm.s32 $0x0;
	s9 =	sshrl.u32 s9, $0x3;
	[dreg:$0x9] =	wrdreg s30  }
.Ltmp0:
0x14: {  	[dreg:$0xa] =	wrdreg s26;
	s25 =	sadd.s32 s5, s9;
	(pc) =	sbr.rel .LBB2_1-.Ltmp0, $4  }
0x15: {  	s0 =	sadd.s32 s8, s0;
	s9 =	sadd.s32 s6, s9;
	[dreg:$0x6] =	wrdreg s25  }
0x16: {  	s22 =	simm.s32 $0x4E80;
	s0 =	sadd.s32 $0x17A00, s0;
	[dreg:$0x7] =	wrdreg s9  }
0x17: {  	s7 =	simm.s32 $0x4;
	s8 =	simm.s32 $0xE00;
	[dreg:$0x8] =	wrdreg s0  }
0x18: {  	s25 =	simm.s32 $0x1;
	s0 =	simm.s32 $0xC80;
	s9 =	simm.s32 $0xD00  }
.LBB2_4:
0x19: {  	[bflag:$0x0] =	sbarrier.arrive $0xFFFF  }
0x1a: {  	s23 =	rddreg [dreg:$0x5]  }
0x1b: {  	s26 =	rddreg [dreg:$0x8]  }
0x1c: {  	[hbm:s26], [sflag:s23] =	dma.local [spmem:s29], $0x13C0  }
0x1d: {  	_ =	swait.ge [sflag:s15], $0x13C0  }
0x1e: {  	s30 =	rddreg [dreg:$0xa]  }
0x1f: {  	s26 =	rddreg [dreg:$0x9];
	s30 =	sadd.s32 $0x1, s30  }
0x20: {  	p0 =	sne.s32 s30, s26  }
.Ltmp1:
0x21: {  	_ = 	snop;
	(pc) =	sbr.rel @!p0 .LBB2_5-.Ltmp1, $3  }
0x22: {  	_ =	sdelay $0x1  }
0x23: {  	[sflag:s15] =	ssyncset.done $0x0  }
0x24: {  	[sflag:s15] =	ssyncadd.s32 $0xFFFFEC40;
	[dreg:$0xa] =	wrdreg s30  }
.LBB2_1:
0x25: {  	s26 =	smov.u32 s23;
	s30 =	rddreg [dreg:$0x4]  }
0x26: {  	[spmem:s29], [sflag:s26] =	dma.local [hbm:s30], $0x13C0  }
0x27: {  	_ =	swait.ge [sflag:s15], $0x13C0  }
0x28: {  	[sflag:s15] =	ssyncset.done $0x0  }
0x29: {  	[sflag:s15] =	ssyncadd.s32 $0xFFFFEC40  }
0x2a: {  	[bflag:$0x0] =	sbarrier.arrive $0xFFFF  }
0x2b: {  	s30 =	rddreg [dreg:$0x6]  }
0x2c: {  	[tilespmem:s4], [sflag:$0x5] =	stream.linear.gather [hbm4b:s30+s4], $0x800, $0x38;
	[tilespmem:$0x12B00] =	vst v63  }
0x2d: {  	_ =	swait.ge [sflag:s15], $0x800  }
0x2e: {  	[sflag:s15] =	ssyncset.done $0x0  }
0x2f: {  	s26 =	rddreg [dreg:$0x7];
	[sflag:s15] =	ssyncadd.s32 $0xFFFFF800  }
0x30: {  	[tilespmem:s16], [sflag:$0x5] =	stream.linear.gather [hbm4b:s26+s4], $0x800, $0x38;
	[tilespmem:$0x12B00] =	vst v63  }
0x31: {  	_ =	swait.ge [sflag:s15], $0x800  }
0x32: {  	[sflag:s15] =	ssyncset.done $0x0  }
0x33: {  	[sflag:s15] =	ssyncadd.s32 $0xFFFFF800  }
0x34: {  	[tilespmem:s18], [sflag:$0x1] =	stream.indirect.gather [hbm4b:s1+s17], $0x40, s4, s17, $0xb8;
	[tilespmem:$0x12B00] =	vst v63  }
0x35: {  	s30 =	simm.s32 $0x80  }
0x36: {  	[tilespmem:s20], [sflag:$0x2] =	stream.indirect.gather [hbm4b:s1+s17], $0x40, s30, s17, $0xb8;
	[tilespmem:$0x12B00] =	vst v63  }
0x37: {  	s26 =	simm.s32 $0x100  }
0x38: {  	[tilespmem:s22], [sflag:$0x3] =	stream.indirect.gather [hbm4b:s1+s17], $0x40, s26, s17, $0xb8;
	[tilespmem:$0x12B00] =	vst v63  }
0x39: {  	s23 =	simm.s32 $0x0;
	s30 =	simm.s32 $0x180  }
0x3a: {  	[tilespmem:s24], [sflag:$0x4] =	stream.indirect.gather [hbm4b:s1+s17], $0x40, s30, s17, $0xb8;
	[tilespmem:$0x12B00] =	vst v63  }
.LBB2_2:
0x3b: {  	_ =	swait.ge [sflag:s25], $0x1F40  }
0x3c: {  	[sflag:s25] =	ssyncset.done $0x0  }
0x3d: {  	[sflag:s25] =	ssyncadd.s32 $0xFFFFE0C0  }
0x3e: {  	[spmem:s3] =	stream.indirect.scatter.add.f32 [tilespmem:s18], [sflag:$0x5], $0x40, s16, s17, $0xb8;
	[tilespmem:$0x12B00] =	vst v63  }
0x3f: {  	_ =	swait.ge [sflag:s15], $0x1F40  }
0x40: {  	[sflag:s15] =	ssyncset.done $0x0  }
0x41: {  	s26 =	simm.s32 $0x200;
	[sflag:s15] =	ssyncadd.s32 $0xFFFFE0C0  }
0x42: {  	[tilespmem:s18], [sflag:$0x1] =	stream.indirect.gather [hbm4b:s1+s17], $0x40, s26, s17, $0xb8;
	[tilespmem:$0x12B00] =	vst v63  }
0x43: {  	_ =	swait.ge [sflag:s28], $0x1F40  }
0x44: {  	[sflag:s28] =	ssyncset.done $0x0  }
0x45: {  	s30 =	simm.s32 $0x880;
	[sflag:s28] =	ssyncadd.s32 $0xFFFFE0C0  }
0x46: {  	[spmem:s3] =	stream.indirect.scatter.add.f32 [tilespmem:s20], [sflag:$0x5], $0x40, s30, s17, $0xb8;
	[tilespmem:$0x12B00] =	vst v63  }
0x47: {  	_ =	swait.ge [sflag:s15], $0x1F40  }
0x48: {  	[sflag:s15] =	ssyncset.done $0x0  }
0x49: {  	s30 =	simm.s32 $0x280;
	[sflag:s15] =	ssyncadd.s32 $0xFFFFE0C0  }
0x4a: {  	[tilespmem:s20], [sflag:$0x2] =	stream.indirect.gather [hbm4b:s1+s17], $0x40, s30, s17, $0xb8;
	[tilespmem:$0x12B00] =	vst v63  }
0x4b: {  	_ =	swait.ge [sflag:s31], $0x1F40  }
0x4c: {  	[sflag:s31] =	ssyncset.done $0x0  }
0x4d: {  	s30 =	simm.s32 $0x900;
	[sflag:s31] =	ssyncadd.s32 $0xFFFFE0C0  }
0x4e: {  	[spmem:s3] =	stream.indirect.scatter.add.f32 [tilespmem:s22], [sflag:$0x5], $0x40, s30, s17, $0xb8;
	[tilespmem:$0x12B00] =	vst v63  }
0x4f: {  	_ =	swait.ge [sflag:s15], $0x1F40  }
0x50: {  	[sflag:s15] =	ssyncset.done $0x0  }
0x51: {  	s30 =	simm.s32 $0x300;
	[sflag:s15] =	ssyncadd.s32 $0xFFFFE0C0  }
0x52: {  	[tilespmem:s22], [sflag:$0x3] =	stream.indirect.gather [hbm4b:s1+s17], $0x40, s30, s17, $0xb8;
	[tilespmem:$0x12B00] =	vst v63  }
0x53: {  	_ =	swait.ge [sflag:s7], $0x1F40  }
0x54: {  	[sflag:s7] =	ssyncset.done $0x0  }
0x55: {  	s30 =	simm.s32 $0x980;
	[sflag:s7] =	ssyncadd.s32 $0xFFFFE0C0  }
0x56: {  	[spmem:s3] =	stream.indirect.scatter.add.f32 [tilespmem:s24], [sflag:$0x5], $0x40, s30, s17, $0xb8;
	[tilespmem:$0x12B00] =	vst v63  }
0x57: {  	_ =	swait.ge [sflag:s15], $0x1F40  }
0x58: {  	[sflag:s15] =	ssyncset.done $0x0  }
0x59: {  	s30 =	simm.s32 $0x380;
	[sflag:s15] =	ssyncadd.s32 $0xFFFFE0C0  }
0x5a: {  	[tilespmem:s24], [sflag:$0x4] =	stream.indirect.gather [hbm4b:s1+s17], $0x40, s30, s17, $0xb8;
	[tilespmem:$0x12B00] =	vst v63  }
0x5b: {  	_ =	swait.ge [sflag:s25], $0x1F40  }
0x5c: {  	[sflag:s25] =	ssyncset.done $0x0  }
0x5d: {  	s30 =	simm.s32 $0xA00;
	[sflag:s25] =	ssyncadd.s32 $0xFFFFE0C0  }
0x5e: {  	[spmem:s3] =	stream.indirect.scatter.add.f32 [tilespmem:s18], [sflag:$0x5], $0x40, s30, s17, $0xb8;
	[tilespmem:$0x12B00] =	vst v63  }
0x5f: {  	_ =	swait.ge [sflag:s15], $0x1F40  }
0x60: {  	[sflag:s15] =	ssyncset.done $0x0  }
0x61: {  	s30 =	simm.s32 $0x400;
	[sflag:s15] =	ssyncadd.s32 $0xFFFFE0C0  }
0x62: {  	[tilespmem:s18], [sflag:$0x1] =	stream.indirect.gather [hbm4b:s1+s17], $0x40, s30, s17, $0xb8;
	[tilespmem:$0x12B00] =	vst v63  }
0x63: {  	_ =	swait.ge [sflag:s28], $0x1F40  }
0x64: {  	[sflag:s28] =	ssyncset.done $0x0  }
0x65: {  	s30 =	simm.s32 $0xA80;
	[sflag:s28] =	ssyncadd.s32 $0xFFFFE0C0  }
0x66: {  	[spmem:s3] =	stream.indirect.scatter.add.f32 [tilespmem:s20], [sflag:$0x5], $0x40, s30, s17, $0xb8;
	[tilespmem:$0x12B00] =	vst v63  }
0x67: {  	_ =	swait.ge [sflag:s15], $0x1F40  }
0x68: {  	[sflag:s15] =	ssyncset.done $0x0  }
0x69: {  	s30 =	simm.s32 $0x480;
	[sflag:s15] =	ssyncadd.s32 $0xFFFFE0C0  }
0x6a: {  	[tilespmem:s20], [sflag:$0x2] =	stream.indirect.gather [hbm4b:s1+s17], $0x40, s30, s17, $0xb8;
	[tilespmem:$0x12B00] =	vst v63  }
0x6b: {  	_ =	swait.ge [sflag:s31], $0x1F40  }
0x6c: {  	[sflag:s31] =	ssyncset.done $0x0  }
0x6d: {  	s30 =	simm.s32 $0xB00;
	[sflag:s31] =	ssyncadd.s32 $0xFFFFE0C0  }
0x6e: {  	[spmem:s3] =	stream.indirect.scatter.add.f32 [tilespmem:s22], [sflag:$0x5], $0x40, s30, s17, $0xb8;
	[tilespmem:$0x12B00] =	vst v63  }
0x6f: {  	_ =	swait.ge [sflag:s15], $0x1F40  }
0x70: {  	[sflag:s15] =	ssyncset.done $0x0  }
0x71: {  	s30 =	simm.s32 $0x500;
	[sflag:s15] =	ssyncadd.s32 $0xFFFFE0C0  }
0x72: {  	[tilespmem:s22], [sflag:$0x3] =	stream.indirect.gather [hbm4b:s1+s17], $0x40, s30, s17, $0xb8;
	[tilespmem:$0x12B00] =	vst v63  }
0x73: {  	_ =	swait.ge [sflag:s7], $0x1F40  }
0x74: {  	[sflag:s7] =	ssyncset.done $0x0  }
0x75: {  	s30 =	simm.s32 $0xB80;
	[sflag:s7] =	ssyncadd.s32 $0xFFFFE0C0  }
0x76: {  	[spmem:s3] =	stream.indirect.scatter.add.f32 [tilespmem:s24], [sflag:$0x5], $0x40, s30, s17, $0xb8;
	[tilespmem:$0x12B00] =	vst v63  }
0x77: {  	_ =	swait.ge [sflag:s15], $0x1F40  }
0x78: {  	[sflag:s15] =	ssyncset.done $0x0  }
0x79: {  	s30 =	simm.s32 $0x580;
	[sflag:s15] =	ssyncadd.s32 $0xFFFFE0C0  }
0x7a: {  	[tilespmem:s24], [sflag:$0x4] =	stream.indirect.gather [hbm4b:s1+s17], $0x40, s30, s17, $0xb8;
	[tilespmem:$0x12B00] =	vst v63  }
0x7b: {  	_ =	swait.ge [sflag:s25], $0x1F40  }
0x7c: {  	[sflag:s25] =	ssyncset.done $0x0  }
0x7d: {  	s30 =	simm.s32 $0xC00;
	[sflag:s25] =	ssyncadd.s32 $0xFFFFE0C0  }
0x7e: {  	[spmem:s3] =	stream.indirect.scatter.add.f32 [tilespmem:s18], [sflag:$0x5], $0x40, s30, s17, $0xb8;
	[tilespmem:$0x12B00] =	vst v63  }
0x7f: {  	_ =	swait.ge [sflag:s15], $0x1F40  }
0x80: {  	[sflag:s15] =	ssyncset.done $0x0  }
0x81: {  	s30 =	simm.s32 $0x600;
	[sflag:s15] =	ssyncadd.s32 $0xFFFFE0C0  }
0x82: {  	[tilespmem:s18], [sflag:$0x1] =	stream.indirect.gather [hbm4b:s1+s17], $0x40, s30, s17, $0xb8;
	[tilespmem:$0x12B00] =	vst v63  }
0x83: {  	_ =	swait.ge [sflag:s28], $0x1F40  }
0x84: {  	[sflag:s28] =	ssyncset.done $0x0  }
0x85: {  	[sflag:s28] =	ssyncadd.s32 $0xFFFFE0C0  }
0x86: {  	[spmem:s3] =	stream.indirect.scatter.add.f32 [tilespmem:s20], [sflag:$0x5], $0x40, s0, s17, $0xb8;
	[tilespmem:$0x12B00] =	vst v63  }
0x87: {  	_ =	swait.ge [sflag:s15], $0x1F40  }
0x88: {  	[sflag:s15] =	ssyncset.done $0x0  }
0x89: {  	[sflag:s15] =	ssyncadd.s32 $0xFFFFE0C0  }
0x8a: {  	[tilespmem:s20], [sflag:$0x2] =	stream.indirect.gather [hbm4b:s1+s17], $0x40, s2, s17, $0xb8;
	[tilespmem:$0x12B00] =	vst v63  }
0x8b: {  	_ =	swait.ge [sflag:s31], $0x1F40  }
0x8c: {  	[sflag:s31] =	ssyncset.done $0x0  }
0x8d: {  	[sflag:s31] =	ssyncadd.s32 $0xFFFFE0C0  }
0x8e: {  	[spmem:s3] =	stream.indirect.scatter.add.f32 [tilespmem:s22], [sflag:$0x5], $0x40, s9, s17, $0xb8;
	[tilespmem:$0x12B00] =	vst v63  }
0x8f: {  	_ =	swait.ge [sflag:s15], $0x1F40  }
0x90: {  	[sflag:s15] =	ssyncset.done $0x0  }
0x91: {  	[sflag:s15] =	ssyncadd.s32 $0xFFFFE0C0  }
0x92: {  	[tilespmem:s22], [sflag:$0x3] =	stream.indirect.gather [hbm4b:s1+s17], $0x40, s10, s17, $0xb8;
	[tilespmem:$0x12B00] =	vst v63  }
0x93: {  	_ =	swait.ge [sflag:s7], $0x1F40  }
0x94: {  	[sflag:s7] =	ssyncset.done $0x0  }
0x95: {  	[sflag:s7] =	ssyncadd.s32 $0xFFFFE0C0  }
0x96: {  	[spmem:s3] =	stream.indirect.scatter.add.f32 [tilespmem:s24], [sflag:$0x5], $0x40, s11, s17, $0xb8;
	[tilespmem:$0x12B00] =	vst v63  }
0x97: {  	_ =	swait.ge [sflag:s15], $0x1F40  }
0x98: {  	[sflag:s15] =	ssyncset.done $0x0  }
0x99: {  	[sflag:s15] =	ssyncadd.s32 $0xFFFFE0C0  }
0x9a: {  	[tilespmem:s24], [sflag:$0x4] =	stream.indirect.gather [hbm4b:s1+s17], $0x40, s12, s17, $0xb8;
	[tilespmem:$0x12B00] =	vst v63  }
0x9b: {  	_ =	swait.ge [sflag:s25], $0x1F40  }
0x9c: {  	[sflag:s25] =	ssyncset.done $0x0  }
0x9d: {  	[sflag:s25] =	ssyncadd.s32 $0xFFFFE0C0  }
0x9e: {  	[spmem:s3] =	stream.indirect.scatter.add.f32 [tilespmem:s18], [sflag:$0x5], $0x40, s8, s17, $0xb8;
	[tilespmem:$0x12B00] =	vst v63  }
0x9f: {  	_ =	swait.ge [sflag:s15], $0x1F40  }
0xa0: {  	[sflag:s15] =	ssyncset.done $0x0  }
0xa1: {  	[sflag:s15] =	ssyncadd.s32 $0xFFFFE0C0  }
0xa2: {  	_ =	swait.ge [sflag:s28], $0x1F40  }
0xa3: {  	[sflag:s28] =	ssyncset.done $0x0  }
0xa4: {  	[sflag:s28] =	ssyncadd.s32 $0xFFFFE0C0  }
0xa5: {  	[spmem:s3] =	stream.indirect.scatter.add.f32 [tilespmem:s20], [sflag:$0x5], $0x40, s14, s17, $0xb8;
	[tilespmem:$0x12B00] =	vst v63  }
0xa6: {  	_ =	swait.ge [sflag:s15], $0x1F40  }
0xa7: {  	[sflag:s15] =	ssyncset.done $0x0  }
0xa8: {  	[sflag:s15] =	ssyncadd.s32 $0xFFFFE0C0  }
0xa9: {  	_ =	swait.ge [sflag:s31], $0x1F40  }
0xaa: {  	[sflag:s31] =	ssyncset.done $0x0  }
0xab: {  	[sflag:s31] =	ssyncadd.s32 $0xFFFFE0C0  }
0xac: {  	[spmem:s3] =	stream.indirect.scatter.add.f32 [tilespmem:s22], [sflag:$0x5], $0x40, s19, s17, $0xb8;
	[tilespmem:$0x12B00] =	vst v63  }
0xad: {  	_ =	swait.ge [sflag:s15], $0x1F40  }
0xae: {  	[sflag:s15] =	ssyncset.done $0x0  }
0xaf: {  	[sflag:s15] =	ssyncadd.s32 $0xFFFFE0C0  }
0xb0: {  	_ =	swait.ge [sflag:s7], $0x1F40  }
0xb1: {  	p0 =	seq.s32 s23, $0x2000;
	[sflag:s7] =	ssyncset.done $0x0  }
.Ltmp2:
0xb2: {  	[sflag:s7] =	ssyncadd.s32 $0xFFFFE0C0;
	(pc) =	sbr.rel @p0 .LBB2_4-.Ltmp2, $4  }
0xb3: {  	[spmem:s3] =	stream.indirect.scatter.add.f32 [tilespmem:s24], [sflag:$0x5], $0x40, s21, s17, $0xb8;
	[tilespmem:$0x12B00] =	vst v63  }
0xb4: {  	_ =	swait.ge [sflag:s15], $0x1F40  }
0xb5: {  	[sflag:s15] =	ssyncset.done $0x0  }
0xb6: {  	[sflag:s15] =	ssyncadd.s32 $0xFFFFE0C0  }
0xb7: {  	s26 =	sadd.s32 s23, s13  }
0xb8: {  	s26 =	sshrl.u32 s26, $0x3  }
0xb9: {  	s30 =	smov.u32 s29;
	s29 =	sadd.s32 s5, s26  }
0xba: {  	[tilespmem:s4], [sflag:$0x5] =	stream.linear.gather [hbm4b:s29+s4], $0x800, $0x38;
	[tilespmem:$0x12B00] =	vst v63  }
0xbb: {  	_ =	swait.ge [sflag:s15], $0x800  }
0xbc: {  	[sflag:s15] =	ssyncset.done $0x0  }
0xbd: {  	s26 =	sadd.s32 s6, s26;
	[sflag:s15] =	ssyncadd.s32 $0xFFFFF800  }
0xbe: {  	[tilespmem:s16], [sflag:$0x5] =	stream.linear.gather [hbm4b:s26+s4], $0x800, $0x38;
	[tilespmem:$0x12B00] =	vst v63  }
0xbf: {  	_ =	swait.ge [sflag:s15], $0x800  }
0xc0: {  	[sflag:s15] =	ssyncset.done $0x0  }
0xc1: {  	[sflag:s15] =	ssyncadd.s32 $0xFFFFF800  }
0xc2: {  	[tilespmem:s18], [sflag:$0x1] =	stream.indirect.gather [hbm4b:s1+s17], $0x40, s4, s17, $0xb8;
	[tilespmem:$0x12B00] =	vst v63  }
0xc3: {  	s29 =	smov.u32 s30;
	s30 =	simm.s32 $0x80  }
0xc4: {  	[tilespmem:s20], [sflag:$0x2] =	stream.indirect.gather [hbm4b:s1+s17], $0x40, s30, s17, $0xb8;
	[tilespmem:$0x12B00] =	vst v63  }
.Ltmp3:
0xc5: {  	_ = 	snop;
	(pc) =	sbr.rel .LBB2_2-.Ltmp3, $4  }
0xc6: {  	s30 =	simm.s32 $0x100  }
0xc7: {  	[tilespmem:s22], [sflag:$0x3] =	stream.indirect.gather [hbm4b:s1+s17], $0x40, s30, s17, $0xb8;
	[tilespmem:$0x12B00] =	vst v63  }
0xc8: {  	s23 =	sadd.s32 $0x800, s23;
	s30 =	simm.s32 $0x180  }
0xc9: {  	[tilespmem:s24], [sflag:$0x4] =	stream.indirect.gather [hbm4b:s1+s17], $0x40, s30, s17, $0xb8;
	[tilespmem:$0x12B00] =	vst v63  }
.LBB2_5:
0xca: {  	_ =	sfence.sel $0x180000  }
0xcb: {  	[bflag:$0x0] =	sbarrier.arrive $0xFFFF  }
0xcc: {  	_ =	strace $0x9000004D  }
0xcd: {  	s0 =	stileid.u32;
	[bflag:$0x2] =	sbarrier.arrive $0xFFFF  }
0xce: {  	p0 =	sne.s32 s0, $0x0;
	s0 =	rddreg [dreg:$0x3]  }
0xcf: {  	s0 =	sadd.s32 @!p0 $0x100000, s0  }
0xd0: {  	[sflag:s0] =	ssyncadd.tile.s32 @!p0 $0x1;
	_ =	shalt  }
.Lfunc_end2:
_tile_overlayer_lowered:
.L_overlay_start_2:
0xd1: {  	(tag) =	ssettag $0x2  }
0xd2: {  	s0 =	rddreg [dreg:$0x0];
	s2 =	stileid.u32  }
0xd3: {  	s1 =	rddreg [dreg:$0x1];
	p0 =	sne.s32 s2, $0x0  }
0xd4: {  	s3 =	rddreg [dreg:$0x2];
	[bflag:$0x3] =	sbarrier.arrive $0xFFFF;
	s2 =	simm.s32 @!p0 $0x1C05  }
0xd5: {  	[timem:s3], [sflag:s2] =	dma.local @!p0 [hbm:s0], s1  }
0xd6: {  	s0 =	simm.s32 @!p0 $0x5  }
0xd7: {  	_ =	swait.ge @!p0 [sflag:s0], s1  }
0xd8: {  	s1 =	ssub.s32 @!p0 $0x0, s1;
	[sflag:s0] =	ssyncset.done @!p0 $0x0  }
0xd9: {  	[sflag:s0] =	ssyncadd.s32 @!p0 s1  }
0xda: {  	[bflag:$0x3] =	sbarrier.arrive $0xFFFF  }
0xdb: {  	_ =	shalt  }

// kernel: kernel.8.cloned.1.call-start
scs
__scs_entry_jumppad:
0x0: {  	(pc) =	sbr.rel $0x88, $3  }
0x1: {  	(tag) =	ssettag $0x0;
	lr =	simm.s32 $0x1  }
0x2: {  	[smem:$0x3F98] =	sst lr;
	_ =	strace $0xD0000000  }
0x3: {  	_ = 	snop  }
0x4: {  	_ = 	snop  }
0x5: {  	_ = 	snop  }
0x6: {  	_ = 	snop  }
0x7: {  	_ = 	snop  }
__scs_overlays_trampoline_lowered:
0x8: {  	[smem:$0x3FA7] =	sst s0  }
0x9: {  	[smem:$0x3FA8] =	sst s1  }
0xa: {  	[smem:$0x3FA9] =	sst s2  }
0xb: {  	[smem:$0x3FAA] =	sst s3  }
0xc: {  	[smem:$0x3FAB] =	sst s4  }
0xd: {  	[smem:$0x3FAC] =	sst s5  }
0xe: {  	[smem:$0x3FAD] =	sst s6  }
0xf: {  	[smem:$0x3FAE] =	sst s7  }
0x10: {  	[smem:$0x3FAF] =	sst s8  }
0x11: {  	[smem:$0x3FB0] =	sst s9;
	s0 =	simm.s32 @!p0 $0x0  }
0x12: {  	s1 =	sld [smem:$0x3F96];
	s0 =	simm.s32 @p0 $0x1  }
0x13: {  	[smem:$0x3FB1] =	sst s0;
	s0 =	simm.s32 @!p1 $0x0  }
0x14: {  	s2 =	sld [smem:$0x3F95];
	s0 =	simm.s32 @p1 $0x1  }
0x15: {  	[smem:$0x3FB2] =	sst s0;
	s0 =	simm.s32 @!p2 $0x0  }
0x16: {  	s3 =	sld [smem:$0x3FDB];
	s0 =	simm.s32 @p2 $0x1  }
0x17: {  	s4 =	simm.s32 $0x1BF5;
	[smem:$0x3FB4] =	sst s0  }
0x18: {  	s0 =	sld [smem:$0x3F97];
	_ =	swait.ge [sflag:s4], $0x0  }
0x19: {  	s7 =	sld [smem:$0x3F98]  }
0x1a: {  	s8 =	sadd.s32 $0xFFFFE003, lr  }
0x1b: {  	s9 =	sadd.s32 $0xFFFFFEF7, lr;
	s5 =	simm.s32 $0xFFFFFFFF;
	p2 =	slt.u32 s8, $0xFFFFF086  }
0x1c: {  	p1 =	slt.u32 s9, $0xF7A;
	s5 =	simm.s32 @!p2 $0x0  }
0x1d: {  	s5 =	simm.s32 @p1 $0x1;
	p0 =	seq.s32 s7, s2  }
0x1e: {  	s7 =	smul.u32 @!p0 $0xF7A, s2;
	p2 =	seq.s32 @!p0 s5, $0x0  }
0x1f: {  	s9 =	smul.u32 $0xF7A, s1;
	s8 =	simm.s32 @!p0 $0x1BF5;
	p2 =	por !p2, p0  }
0x20: {  	[sflag:s8] =	ssyncset.s32 @!p0 $0xFFFFF086;
	s6 =	sadd.s32 @!p0 s3, s7;
	s7 =	simm.s32 @!p0 $0x108  }
0x21: {  	s3 =	sadd.s32 s3, s9;
	s6 =	sadd.s32 @!p0 $0x88, s6;
	s7 =	simm.s32 @p2 $0x1082  }
0x22: {  	[simem:s7], [sflag:s8] =	dma.local @!p0 [hbm:s6], $0xF7A  }
0x23: {  	s9 =	sor.u32 $0xD0000000, s2;
	s6 =	simm.s32 $0x108;
	_ =	swait.ge @!p0 [sflag:s8], $0x0  }
0x24: {  	s3 =	sadd.s32 $0x88, s3;
	s6 =	simm.s32 @!p1 $0x1082;
	[sflag:s4] =	ssyncset.s32 $0xFFFFF086  }
0x25: {  	[simem:s6], [sflag:s4] =	dma.local [hbm:s3], $0xF7A  }
0x26: {  	[smem:$0x3F98] =	sst s1;
	(tag) =	ssettag s2;
	_ =	strace s9  }
0x27: {  	s1 =	sld [smem:$0x3FA8]  }
0x28: {  	s2 =	sld [smem:$0x3FA9]  }
0x29: {  	s4 =	sld [smem:$0x3FAB]  }
0x2a: {  	p0 =	seq.s32 s5, $0x0;
	s5 =	sld [smem:$0x3FAC]  }
0x2b: {  	s6 =	sld [smem:$0x3FAD]  }
0x2c: {  	s7 =	sld [smem:$0x3FAE]  }
0x2d: {  	s3 =	simm.s32 $0x108;
	s8 =	sld [smem:$0x3FAF]  }
0x2e: {  	s3 =	simm.s32 @!p0 $0x1082;
	s9 =	sld [smem:$0x3FB0]  }
0x2f: {  	lr =	sadd.s32 s0, s3;
	s0 =	sld [smem:$0x3FA7]  }
0x30: {  	s3 =	sld [smem:$0x3FAA]  }
0x31: {  	[smem:$0x3FB3] =	sst s10  }
0x32: {  	s10 =	sld [smem:$0x3FB1];
	_ =	sdelay $0x3  }
0x33: {  	p0 =	seq.s32 s10, $0x1;
	s10 =	sld [smem:$0x3FB3];
	_ =	sdelay $0x3  }
0x34: {  	[smem:$0x3FB3] =	sst s10  }
0x35: {  	s10 =	sld [smem:$0x3FB2];
	_ =	sdelay $0x3  }
0x36: {  	p1 =	seq.s32 s10, $0x1;
	s10 =	sld [smem:$0x3FB3];
	_ =	sdelay $0x3  }
0x37: {  	[smem:$0x3FB3] =	sst s10  }
0x38: {  	s10 =	sld [smem:$0x3FB4]  }
0x39: {  	_ = 	snop;
	(pc) =	sbr.ind lr, $3  }
0x3a: {  	_ = 	snop  }
0x3b: {  	_ = 	snop  }
0x3c: {  	p2 =	seq.s32 s10, $0x1;
	s10 =	sld [smem:$0x3FB3]  }
0x3d: {  	_ =	shalt  }
0x3e: {  	_ =	shalt  }
0x3f: {  	_ =	shalt  }
0x40: {  	_ =	shalt  }
0x41: {  	_ =	shalt  }
0x42: {  	_ =	shalt  }
0x43: {  	_ =	shalt  }
0x44: {  	_ =	shalt  }
0x45: {  	_ =	shalt  }
0x46: {  	_ =	shalt  }
0x47: {  	_ =	shalt  }
0x48: {  	_ =	shalt  }
0x49: {  	_ =	shalt  }
0x4a: {  	_ =	shalt  }
0x4b: {  	_ =	shalt  }
0x4c: {  	_ =	shalt  }
0x4d: {  	_ =	shalt  }
0x4e: {  	_ =	shalt  }
0x4f: {  	_ =	shalt  }
0x50: {  	_ =	shalt  }
0x51: {  	_ =	shalt  }
0x52: {  	_ =	shalt  }
0x53: {  	_ =	shalt  }
0x54: {  	_ =	shalt  }
0x55: {  	_ =	shalt  }
0x56: {  	_ =	shalt  }
0x57: {  	_ =	shalt  }
0x58: {  	_ =	shalt  }
0x59: {  	_ =	shalt  }
0x5a: {  	_ =	shalt  }
0x5b: {  	_ =	shalt  }
0x5c: {  	_ =	shalt  }
0x5d: {  	_ =	shalt  }
0x5e: {  	_ =	shalt  }
0x5f: {  	_ =	shalt  }
0x60: {  	_ =	shalt  }
0x61: {  	_ =	shalt  }
0x62: {  	_ =	shalt  }
0x63: {  	_ =	shalt  }
0x64: {  	_ =	shalt  }
0x65: {  	_ =	shalt  }
0x66: {  	_ =	shalt  }
0x67: {  	_ =	shalt  }
0x68: {  	_ =	shalt  }
0x69: {  	_ =	shalt  }
0x6a: {  	_ =	shalt  }
0x6b: {  	_ =	shalt  }
0x6c: {  	_ =	shalt  }
0x6d: {  	_ =	shalt  }
0x6e: {  	_ =	shalt  }
0x6f: {  	_ =	shalt  }
0x70: {  	_ =	shalt  }
0x71: {  	_ =	shalt  }
0x72: {  	_ =	shalt  }
0x73: {  	_ =	shalt  }
0x74: {  	_ =	shalt  }
0x75: {  	_ =	shalt  }
0x76: {  	_ =	shalt  }
0x77: {  	_ =	shalt  }
0x78: {  	_ =	shalt  }
0x79: {  	_ =	shalt  }
0x7a: {  	_ =	shalt  }
0x7b: {  	_ =	shalt  }
0x7c: {  	_ =	shalt  }
0x7d: {  	_ =	shalt  }
0x7e: {  	_ =	shalt  }
0x7f: {  	_ =	shalt  }
0x80: {  	_ =	shalt  }
0x81: {  	_ =	shalt  }
0x82: {  	_ =	shalt  }
0x83: {  	_ =	shalt  }
0x84: {  	_ =	shalt  }
0x85: {  	_ =	shalt  }
0x86: {  	_ =	shalt  }
0x87: {  	_ =	shalt  }
.Lfunc_end0:
.L_simem_size_0:
called_computation_lowered:
.L_overlay_start_0:
0x88: {  	s2 =	sld [smem:$0x3FD9]  }
0x89: {  	s3 =	sld [smem:$0x3FFE];
	_ =	sdelay $0x1  }
0x8a: {  	s1 =	srdreg.scid  }
0x8b: {  	s0 =	sand.u32 $0x1, s1  }
0x8c: {  	s17 =	sshll.u32 s0, $0xA;
	s2 =	sadd.s32 s3, s2  }
0x8d: {  	s2 =	sadd.s32 s2, s17  }
0x8e: {  	[smem:$0x3FBF] =	sst s2  }
0x8f: {  	_ = 	snop  }
0x90: {  	s2 =	sld [smem:$0x3FD0];
	(tm) =	ssettm $0x1  }
0x91: {  	s18 =	sld [smem:$0x3FFB];
	_ =	sdelay $0x3  }
0x92: {  	_ =	strace s18  }
0x93: {  	s3 =	sld [smem:$0x3FFC];
	_ =	sdelay $0x3  }
0x94: {  	_ =	strace s3  }
0x95: {  	s3 =	sld [smem:$0x3FFD];
	_ =	sdelay $0x3  }
0x96: {  	_ =	strace s3  }
0x97: {  	_ =	strace $0x8FFFFFFF  }
0x98: {  	s19 =	sld [smem:$0x3FDB];
	_ =	sdelay $0x1  }
0x99: {  	s4 =	simm.s32 $_scs_section_size  }
0x9a: {  	s5 =	simm.s32 $_size__tile_overlayer_lowered;
	s6 =	simm.s32 $_tile_overlayer_lowered  }
0x9b: {  	s22 =	simm.s32 $0x1BFF;
	s21 =	sshll.u32 s6, $0x1;
	s3 =	sadd.s32 s4, s19  }
0x9c: {  	s7 =	simm.s32 $0x0;
	s20 =	sshll.u32 s5, $0x1;
	s5 =	sadd.s32 s21, s3  }
0x9d: {  	[timem:s7], [sflag:s22] =	dma.local [hbm:s5], s20  }
0x9e: {  	_ =	swait.ge [sflag:s22], s20  }
0x9f: {  	s4 =	ssub.s32 $0x0, s20;
	[sflag:s22] =	ssyncset.done $0x0  }
0xa0: {  	[sflag:s22] =	ssyncadd.s32 s4;
	_ =	sdelay $0x1  }
0xa1: {  	s23 =	simm.s32 $0x1B8B  }
0xa2: {  	_ =	swait.ge [sflag:s23], $0x1  }
0xa3: {  	[sflag:s23] =	ssyncset.done $0x0  }
0xa4: {  	s25 =	simm.s32 $0x1B8E;
	s24 =	sld [smem:$0x3FFE];
	[sflag:s23] =	ssyncadd.s32 $0xFFFFFFFF  }
0xa5: {  	s26 =	simm.s32 $execute0_lowered;
	[smem:$0x3FD2] =	sst s25  }
0xa6: {  	s5 =	sshll.u32 s26, $0x1;
	_ =	strace $0x80000046;
	[dreg:$0x1] =	wrdreg $0xFFFFFFFF  }
0xa7: {  	s28 =	simm.s32 $_size_execute0_lowered;
	s3 =	sadd.s32 s3, s5;
	[dreg:$0x0] =	wrdreg $0x0  }
0xa8: {  	s5 =	sshll.u32 s28, $0x1;
	[dreg:$0x2] =	wrdreg s3  }
0xa9: {  	[dreg:$0x3] =	wrdreg s5  }
0xaa: {  	[dreg:$0x4] =	wrdreg $0xC0  }
0xab: {  	_ =	task [dreg:s7], $0x5FFFF  }
0xac: {  	[dreg:$0x1] =	wrdreg $0xFFFFFFFF  }
0xad: {  	[dreg:$0x0] =	wrdreg $0x60  }
0xae: {  	[dreg:$0x2] =	wrdreg s24  }
0xaf: {  	[dreg:$0x3] =	wrdreg s2  }
0xb0: {  	[dreg:$0x4] =	wrdreg $0xBE80  }
0xb1: {  	[dreg:$0x5] =	wrdreg $0x9  }
0xb2: {  	_ =	task.clear_ibuf [dreg:s7], $0x6FFFF;
	_ =	strace $0x90000046  }
0xb3: {  	s29 =	simm.s32 $0x9;
	_ =	strace $0x80000048  }
0xb4: {  	_ =	swait.ge [sflag:s29], $0x1  }
0xb5: {  	[sflag:s29] =	ssyncadd.s32 $0xFFFFFFFF  }
0xb6: {  	_ =	strace $0x90000048  }
0xb7: {  	_ =	sfence  }
0xb8: {  	s30 =	sld [smem:$0x0];
	_ =	sdelay $0x2  }
0xb9: {  	s31 =	sshll.u32 s1, $0xD;
	s1 =	sshrl.u32 s1, $0x2  }
0xba: {  	s3 =	sand.u32 $0x4000, s31;
	s1 =	sadd.s32 s1, s30  }
0xbb: {  	s0 =	sor.u32 s3, s0;
	s1 =	sshll.u32 s1, $0x11  }
0xbc: {  	s0 =	sor.u32 s1, s0  }
0xbd: {  	s0 =	sadd.s32 $0x8F2B, s0  }
0xbe: {  	[sflag:s0] =	ssyncadd.remote.s32 $0x1  }
0xbf: {  	_ =	sfence.sel $0xFFFF  }
0xc0: {  	[dreg:$0x0] =	wrdreg $0xFFFFFFFF;
	(pc) =	sbr.abs _section_cstart, $3  }
0xc1: {  	[dreg:$0x1] =	wrdreg $0xFFFFFFFF  }
0xc2: {  	_ =	task.clear_ibuf [dreg:s7], $0x2FFFF;
	_ =	strace $0x9FFFFFFF  }
0xc3: {  	(tm) =	ssettm $0x7FFFFFFF  }
tec
execute0_lowered:
.L_overlay_start_1:
0x0: {  	(tag) =	ssettag $0x1  }
0x1: {  	s0 =	rddreg [dreg:$0x0]  }
0x2: {  	s1 =	srdreg.scid;
	s4 =	rddreg [dreg:$0x1]  }
0x3: {  	s8 =	stileid.u32;
	s2 =	rddreg [dreg:$0x2];
	s3 =	simm.s32 $0x0  }
0x4: {  	s11 =	simm.s32 $0x3;
	s12 =	simm.s32 $0x800;
	s13 =	simm.s32 $0x7D  }
0x5: {  	s14 =	simm.s32 $0x80;
	s15 =	simm.s32 $0x1;
	s16 =	simm.s32 $0x2  }
0x6: {  	s17 =	simm.s32 $0x100;
	s18 =	simm.s32 $0x180;
	s19 =	simm.s32 $0x200  }
0x7: {  	s20 =	simm.s32 $0x280;
	s21 =	simm.s32 $0x300;
	s22 =	simm.s32 $0x380  }
0x8: {  	s28 =	simm.s32 $0x600;
	s29 =	simm.s32 $0x680;
	s30 =	simm.s32 $0x700  }
0x9: {  	s31 =	simm.s32 $0x780;
	s1 =	sand.u32 $0x1, s1;
	s6 =	smul.u32 $0x2800, s8  }
0xa: {  	[smem:$0x7FF] =	sst s3;
	s23 =	smul.u32 $0x13C0, s8;
	s9 =	sadd.s32 $0xC000, s0  }
0xb: {  	s25 =	sshll.u32 s8, $0x6;
	s5 =	smul.u32 $0x28000, s1;
	_ =	strace $0x80000047  }
0xc: {  	s7 =	smul.u32 $0x13C00, s1;
	[dreg:$0x4] =	wrdreg s9;
	s1 =	ssub.s32 $0x2, s1  }
0xd: {  	s24 =	sshrl.u32 s1, $0x1;
	s10 =	sadd.s32 s23, s2;
	s5 =	sadd.s32 s6, s5  }
0xe: {  	s7 =	sadd.s32 s23, s7;
	s6 =	sor.u32 $0x1C03, s25;
	s10 =	sshrl.u32 s10, $0x3  }
0xf: {  	s23 =	simm.s32 $0x400;
	s25 =	simm.s32 $0x500;
	s5 =	sshrl.u32 s5, $0x3  }
0x10: {  	s7 =	sshrl.u32 s7, $0x3;
	s5 =	sadd.s32 s5, s0;
	s0 =	sadd.s32 $0xC400, s0  }
0x11: {  	s26 =	sadd.s32 s4, s7;
	[dreg:$0x5] =	wrdreg s0;
	s0 =	ssub.s32 s1, s24  }
0x12: {  	[dreg:$0x6] =	wrdreg s26;
	s9 =	sadd.s32 $0x2000, s5;
	s24 =	simm.s32 $0x480  }
0x13: {  	s26 =	simm.s32 $0x580;
	s1 =	simm.s32 $0x0;
	s8 =	smax.u32 s0, $0x1  }
.LBB2_1:
0x14: {  	s0 =	rddreg [dreg:$0x4]  }
0x15: {  	[spmem:s10], [sflag:s6] =	dma.local [hbm:s0], $0x278  }
0x16: {  	_ =	swait.ge [sflag:s11], $0x278  }
0x17: {  	[sflag:s11] =	ssyncset.done $0x0  }
0x18: {  	s5 =	rddreg [dreg:$0x5];
	[sflag:s11] =	ssyncadd.s32 $0xFFFFFD88  }
0x19: {  	[tilespmem:s12], [sflag:$0x3] =	stream.linear.gather [hbm4b:s5+s3], $0x3E8, $0x38;
	[tilespmem:$0x1FA8] =	vst v63  }
0x1a: {  	_ =	swait.ge [sflag:s11], $0x3E8  }
0x1b: {  	[sflag:s11] =	ssyncset.done $0x0  }
0x1c: {  	[sflag:s11] =	ssyncadd.s32 $0xFFFFFC18  }
0x1d: {  	s7 =	sadd.s32 $0x0, s9;
	[bflag:$0x0] =	sbarrier.arrive $0xFFFF  }
0x1e: {  	[tilespmem:s3], [sflag:$0x3] =	stream.linear.gather [hbm4b:s7+s3], $0x800, $0x38;
	[tilespmem:$0x1FA8] =	vst v63  }
0x1f: {  	_ =	swait.ge [sflag:s11], $0x800  }
0x20: {  	[sflag:s11] =	ssyncset.done $0x0  }
0x21: {  	[sflag:s11] =	ssyncadd.s32 $0xFFFFF800  }
0x22: {  	[spmem:s2] =	stream.indirect.scatter.add.f32 [tilespmem:s12], [sflag:$0x1], $0x8, s3, s13, $0xb8;
	[tilespmem:$0x1FA8] =	vst v63  }
0x23: {  	_ = 	snop  }
0x24: {  	[spmem:s2] =	stream.indirect.scatter.add.f32 [tilespmem:s12], [sflag:$0x2], $0x8, s14, s13, $0xb8;
	[tilespmem:$0x1FA8] =	vst v63  }
0x25: {  	_ =	swait.ge [sflag:s15], $0x3E8  }
0x26: {  	[sflag:s15] =	ssyncset.done $0x0  }
0x27: {  	[sflag:s15] =	ssyncadd.s32 $0xFFFFFC18  }
0x28: {  	_ =	swait.ge [sflag:s16], $0x3E8  }
0x29: {  	[sflag:s16] =	ssyncset.done $0x0  }
0x2a: {  	[sflag:s16] =	ssyncadd.s32 $0xFFFFFC18  }
0x2b: {  	[spmem:s2] =	stream.indirect.scatter.add.f32 [tilespmem:s12], [sflag:$0x1], $0x8, s17, s13, $0xb8;
	[tilespmem:$0x1FA8] =	vst v63  }
0x2c: {  	_ = 	snop  }
0x2d: {  	[spmem:s2] =	stream.indirect.scatter.add.f32 [tilespmem:s12], [sflag:$0x2], $0x8, s18, s13, $0xb8;
	[tilespmem:$0x1FA8] =	vst v63  }
0x2e: {  	_ =	swait.ge [sflag:s15], $0x3E8  }
0x2f: {  	[sflag:s15] =	ssyncset.done $0x0  }
0x30: {  	[sflag:s15] =	ssyncadd.s32 $0xFFFFFC18  }
0x31: {  	_ =	swait.ge [sflag:s16], $0x3E8  }
0x32: {  	[sflag:s16] =	ssyncset.done $0x0  }
0x33: {  	[sflag:s16] =	ssyncadd.s32 $0xFFFFFC18  }
0x34: {  	[spmem:s2] =	stream.indirect.scatter.add.f32 [tilespmem:s12], [sflag:$0x1], $0x8, s19, s13, $0xb8;
	[tilespmem:$0x1FA8] =	vst v63  }
0x35: {  	_ = 	snop  }
0x36: {  	[spmem:s2] =	stream.indirect.scatter.add.f32 [tilespmem:s12], [sflag:$0x2], $0x8, s20, s13, $0xb8;
	[tilespmem:$0x1FA8] =	vst v63  }
0x37: {  	_ =	swait.ge [sflag:s15], $0x3E8  }
0x38: {  	[sflag:s15] =	ssyncset.done $0x0  }
0x39: {  	[sflag:s15] =	ssyncadd.s32 $0xFFFFFC18  }
0x3a: {  	_ =	swait.ge [sflag:s16], $0x3E8  }
0x3b: {  	[sflag:s16] =	ssyncset.done $0x0  }
0x3c: {  	[sflag:s16] =	ssyncadd.s32 $0xFFFFFC18  }
0x3d: {  	[spmem:s2] =	stream.indirect.scatter.add.f32 [tilespmem:s12], [sflag:$0x1], $0x8, s21, s13, $0xb8;
	[tilespmem:$0x1FA8] =	vst v63  }
0x3e: {  	_ = 	snop  }
0x3f: {  	[spmem:s2] =	stream.indirect.scatter.add.f32 [tilespmem:s12], [sflag:$0x2], $0x8, s22, s13, $0xb8;
	[tilespmem:$0x1FA8] =	vst v63  }
0x40: {  	_ =	swait.ge [sflag:s15], $0x3E8  }
0x41: {  	[sflag:s15] =	ssyncset.done $0x0  }
0x42: {  	[sflag:s15] =	ssyncadd.s32 $0xFFFFFC18  }
0x43: {  	_ =	swait.ge [sflag:s16], $0x3E8  }
0x44: {  	[sflag:s16] =	ssyncset.done $0x0  }
0x45: {  	[sflag:s16] =	ssyncadd.s32 $0xFFFFFC18  }
0x46: {  	[spmem:s2] =	stream.indirect.scatter.add.f32 [tilespmem:s12], [sflag:$0x1], $0x8, s23, s13, $0xb8;
	[tilespmem:$0x1FA8] =	vst v63  }
0x47: {  	_ = 	snop  }
0x48: {  	[spmem:s2] =	stream.indirect.scatter.add.f32 [tilespmem:s12], [sflag:$0x2], $0x8, s24, s13, $0xb8;
	[tilespmem:$0x1FA8] =	vst v63  }
0x49: {  	_ =	swait.ge [sflag:s15], $0x3E8  }
0x4a: {  	[sflag:s15] =	ssyncset.done $0x0  }
0x4b: {  	[sflag:s15] =	ssyncadd.s32 $0xFFFFFC18  }
0x4c: {  	_ =	swait.ge [sflag:s16], $0x3E8  }
0x4d: {  	[sflag:s16] =	ssyncset.done $0x0  }
0x4e: {  	[sflag:s16] =	ssyncadd.s32 $0xFFFFFC18  }
0x4f: {  	[spmem:s2] =	stream.indirect.scatter.add.f32 [tilespmem:s12], [sflag:$0x1], $0x8, s25, s13, $0xb8;
	[tilespmem:$0x1FA8] =	vst v63  }
0x50: {  	_ = 	snop  }
0x51: {  	[spmem:s2] =	stream.indirect.scatter.add.f32 [tilespmem:s12], [sflag:$0x2], $0x8, s26, s13, $0xb8;
	[tilespmem:$0x1FA8] =	vst v63  }
0x52: {  	_ =	swait.ge [sflag:s15], $0x3E8  }
0x53: {  	[sflag:s15] =	ssyncset.done $0x0  }
0x54: {  	[sflag:s15] =	ssyncadd.s32 $0xFFFFFC18  }
0x55: {  	_ =	swait.ge [sflag:s16], $0x3E8  }
0x56: {  	[sflag:s16] =	ssyncset.done $0x0  }
0x57: {  	[sflag:s16] =	ssyncadd.s32 $0xFFFFFC18  }
0x58: {  	[spmem:s2] =	stream.indirect.scatter.add.f32 [tilespmem:s12], [sflag:$0x1], $0x8, s28, s13, $0xb8;
	[tilespmem:$0x1FA8] =	vst v63  }
0x59: {  	_ = 	snop  }
0x5a: {  	[spmem:s2] =	stream.indirect.scatter.add.f32 [tilespmem:s12], [sflag:$0x2], $0x8, s29, s13, $0xb8;
	[tilespmem:$0x1FA8] =	vst v63  }
0x5b: {  	_ =	swait.ge [sflag:s15], $0x3E8  }
0x5c: {  	[sflag:s15] =	ssyncset.done $0x0  }
0x5d: {  	[sflag:s15] =	ssyncadd.s32 $0xFFFFFC18  }
0x5e: {  	_ =	swait.ge [sflag:s16], $0x3E8  }
0x5f: {  	[sflag:s16] =	ssyncset.done $0x0  }
0x60: {  	[sflag:s16] =	ssyncadd.s32 $0xFFFFFC18  }
0x61: {  	[spmem:s2] =	stream.indirect.scatter.add.f32 [tilespmem:s12], [sflag:$0x1], $0x8, s30, s13, $0xb8;
	[tilespmem:$0x1FA8] =	vst v63  }
0x62: {  	_ = 	snop  }
0x63: {  	[spmem:s2] =	stream.indirect.scatter.add.f32 [tilespmem:s12], [sflag:$0x2], $0x8, s31, s13, $0xb8;
	[tilespmem:$0x1FA8] =	vst v63  }
0x64: {  	_ =	swait.ge [sflag:s15], $0x3E8  }
0x65: {  	[sflag:s15] =	ssyncset.done $0x0  }
0x66: {  	[sflag:s15] =	ssyncadd.s32 $0xFFFFFC18  }
0x67: {  	_ =	swait.ge [sflag:s16], $0x3E8  }
0x68: {  	s4 =	simm.s32 $0x200;
	s0 =	simm.s32 $0x100;
	[sflag:s16] =	ssyncset.done $0x0  }
.LBB2_2:
0x69: {  	s7 =	sadd.s32 s0, s9  }
0x6a: {  	[sflag:s16] =	ssyncadd.s32 $0xFFFFFC18;
	s0 =	smov.u32 s4;
	s5 =	sadd.s32 $0x100, s4  }
0x6b: {  	[tilespmem:s3], [sflag:$0x3] =	stream.linear.gather [hbm4b:s7+s3], $0x800, $0x38;
	[tilespmem:$0x1FA8] =	vst v63  }
0x6c: {  	p0 =	sne.s32 s4, $0x400;
	_ =	swait.ge [sflag:s11], $0x800  }
0x6d: {  	[sflag:s11] =	ssyncset.done $0x0  }
0x6e: {  	[sflag:s11] =	ssyncadd.s32 $0xFFFFF800  }
0x6f: {  	[spmem:s2] =	stream.indirect.scatter.add.f32 [tilespmem:s12], [sflag:$0x1], $0x8, s3, s13, $0xb8;
	[tilespmem:$0x1FA8] =	vst v63  }
0x70: {  	_ = 	snop  }
0x71: {  	[spmem:s2] =	stream.indirect.scatter.add.f32 [tilespmem:s12], [sflag:$0x2], $0x8, s14, s13, $0xb8;
	[tilespmem:$0x1FA8] =	vst v63  }
0x72: {  	_ =	swait.ge [sflag:s15], $0x3E8  }
0x73: {  	[sflag:s15] =	ssyncset.done $0x0  }
0x74: {  	[sflag:s15] =	ssyncadd.s32 $0xFFFFFC18  }
0x75: {  	_ =	swait.ge [sflag:s16], $0x3E8  }
0x76: {  	[sflag:s16] =	ssyncset.done $0x0  }
0x77: {  	[sflag:s16] =	ssyncadd.s32 $0xFFFFFC18  }
0x78: {  	[spmem:s2] =	stream.indirect.scatter.add.f32 [tilespmem:s12], [sflag:$0x1], $0x8, s17, s13, $0xb8;
	[tilespmem:$0x1FA8] =	vst v63  }
0x79: {  	_ = 	snop  }
0x7a: {  	[spmem:s2] =	stream.indirect.scatter.add.f32 [tilespmem:s12], [sflag:$0x2], $0x8, s18, s13, $0xb8;
	[tilespmem:$0x1FA8] =	vst v63  }
0x7b: {  	_ =	swait.ge [sflag:s15], $0x3E8  }
0x7c: {  	[sflag:s15] =	ssyncset.done $0x0  }
0x7d: {  	[sflag:s15] =	ssyncadd.s32 $0xFFFFFC18  }
0x7e: {  	_ =	swait.ge [sflag:s16], $0x3E8  }
0x7f: {  	[sflag:s16] =	ssyncset.done $0x0  }
0x80: {  	[sflag:s16] =	ssyncadd.s32 $0xFFFFFC18  }
0x81: {  	[spmem:s2] =	stream.indirect.scatter.add.f32 [tilespmem:s12], [sflag:$0x1], $0x8, s19, s13, $0xb8;
	[tilespmem:$0x1FA8] =	vst v63  }
0x82: {  	_ = 	snop  }
0x83: {  	[spmem:s2] =	stream.indirect.scatter.add.f32 [tilespmem:s12], [sflag:$0x2], $0x8, s20, s13, $0xb8;
	[tilespmem:$0x1FA8] =	vst v63  }
0x84: {  	_ =	swait.ge [sflag:s15], $0x3E8  }
0x85: {  	[sflag:s15] =	ssyncset.done $0x0  }
0x86: {  	[sflag:s15] =	ssyncadd.s32 $0xFFFFFC18  }
0x87: {  	_ =	swait.ge [sflag:s16], $0x3E8  }
0x88: {  	[sflag:s16] =	ssyncset.done $0x0  }
0x89: {  	[sflag:s16] =	ssyncadd.s32 $0xFFFFFC18  }
0x8a: {  	[spmem:s2] =	stream.indirect.scatter.add.f32 [tilespmem:s12], [sflag:$0x1], $0x8, s21, s13, $0xb8;
	[tilespmem:$0x1FA8] =	vst v63  }
0x8b: {  	_ = 	snop  }
0x8c: {  	[spmem:s2] =	stream.indirect.scatter.add.f32 [tilespmem:s12], [sflag:$0x2], $0x8, s22, s13, $0xb8;
	[tilespmem:$0x1FA8] =	vst v63  }
0x8d: {  	_ =	swait.ge [sflag:s15], $0x3E8  }
0x8e: {  	[sflag:s15] =	ssyncset.done $0x0  }
0x8f: {  	[sflag:s15] =	ssyncadd.s32 $0xFFFFFC18  }
0x90: {  	_ =	swait.ge [sflag:s16], $0x3E8  }
0x91: {  	[sflag:s16] =	ssyncset.done $0x0  }
0x92: {  	[sflag:s16] =	ssyncadd.s32 $0xFFFFFC18  }
0x93: {  	[spmem:s2] =	stream.indirect.scatter.add.f32 [tilespmem:s12], [sflag:$0x1], $0x8, s23, s13, $0xb8;
	[tilespmem:$0x1FA8] =	vst v63  }
0x94: {  	_ = 	snop  }
0x95: {  	[spmem:s2] =	stream.indirect.scatter.add.f32 [tilespmem:s12], [sflag:$0x2], $0x8, s24, s13, $0xb8;
	[tilespmem:$0x1FA8] =	vst v63  }
0x96: {  	_ =	swait.ge [sflag:s15], $0x3E8  }
0x97: {  	[sflag:s15] =	ssyncset.done $0x0  }
0x98: {  	[sflag:s15] =	ssyncadd.s32 $0xFFFFFC18  }
0x99: {  	_ =	swait.ge [sflag:s16], $0x3E8  }
0x9a: {  	[sflag:s16] =	ssyncset.done $0x0  }
0x9b: {  	[sflag:s16] =	ssyncadd.s32 $0xFFFFFC18  }
0x9c: {  	[spmem:s2] =	stream.indirect.scatter.add.f32 [tilespmem:s12], [sflag:$0x1], $0x8, s25, s13, $0xb8;
	[tilespmem:$0x1FA8] =	vst v63  }
0x9d: {  	_ = 	snop  }
0x9e: {  	[spmem:s2] =	stream.indirect.scatter.add.f32 [tilespmem:s12], [sflag:$0x2], $0x8, s26, s13, $0xb8;
	[tilespmem:$0x1FA8] =	vst v63  }
0x9f: {  	_ =	swait.ge [sflag:s15], $0x3E8  }
0xa0: {  	[sflag:s15] =	ssyncset.done $0x0  }
0xa1: {  	[sflag:s15] =	ssyncadd.s32 $0xFFFFFC18  }
0xa2: {  	_ =	swait.ge [sflag:s16], $0x3E8  }
0xa3: {  	[sflag:s16] =	ssyncset.done $0x0  }
0xa4: {  	[sflag:s16] =	ssyncadd.s32 $0xFFFFFC18  }
0xa5: {  	[spmem:s2] =	stream.indirect.scatter.add.f32 [tilespmem:s12], [sflag:$0x1], $0x8, s28, s13, $0xb8;
	[tilespmem:$0x1FA8] =	vst v63  }
0xa6: {  	_ = 	snop  }
0xa7: {  	[spmem:s2] =	stream.indirect.scatter.add.f32 [tilespmem:s12], [sflag:$0x2], $0x8, s29, s13, $0xb8;
	[tilespmem:$0x1FA8] =	vst v63  }
0xa8: {  	_ =	swait.ge [sflag:s15], $0x3E8  }
0xa9: {  	[sflag:s15] =	ssyncset.done $0x0  }
0xaa: {  	[sflag:s15] =	ssyncadd.s32 $0xFFFFFC18  }
0xab: {  	_ =	swait.ge [sflag:s16], $0x3E8  }
0xac: {  	[sflag:s16] =	ssyncset.done $0x0  }
0xad: {  	[sflag:s16] =	ssyncadd.s32 $0xFFFFFC18  }
0xae: {  	[spmem:s2] =	stream.indirect.scatter.add.f32 [tilespmem:s12], [sflag:$0x1], $0x8, s30, s13, $0xb8;
	[tilespmem:$0x1FA8] =	vst v63  }
0xaf: {  	_ = 	snop  }
0xb0: {  	[spmem:s2] =	stream.indirect.scatter.add.f32 [tilespmem:s12], [sflag:$0x2], $0x8, s31, s13, $0xb8;
	[tilespmem:$0x1FA8] =	vst v63  }
.Ltmp0:
0xb1: {  	_ =	swait.ge [sflag:s15], $0x3E8;
	(pc) =	sbr.rel @p0 .LBB2_2-.Ltmp0, $4  }
0xb2: {  	[sflag:s15] =	ssyncset.done $0x0  }
0xb3: {  	[sflag:s15] =	ssyncadd.s32 $0xFFFFFC18  }
0xb4: {  	_ =	swait.ge [sflag:s16], $0x3E8  }
0xb5: {  	s4 =	smov.u32 s5;
	[sflag:s16] =	ssyncset.done $0x0  }
0xb6: {  	s0 =	sadd.s32 s0, s9;
	[sflag:s16] =	ssyncadd.s32 $0xFFFFFC18  }
0xb7: {  	[tilespmem:s3], [sflag:$0x3] =	stream.linear.gather [hbm4b:s0+s3], $0x800, $0x38;
	[tilespmem:$0x1FA8] =	vst v63  }
0xb8: {  	_ =	swait.ge [sflag:s11], $0x800  }
0xb9: {  	[sflag:s11] =	ssyncset.done $0x0  }
0xba: {  	[sflag:s11] =	ssyncadd.s32 $0xFFFFF800  }
0xbb: {  	[spmem:s2] =	stream.indirect.scatter.add.f32 [tilespmem:s12], [sflag:$0x1], $0x8, s3, s13, $0xb8;
	[tilespmem:$0x1FA8] =	vst v63  }
0xbc: {  	_ = 	snop  }
0xbd: {  	[spmem:s2] =	stream.indirect.scatter.add.f32 [tilespmem:s12], [sflag:$0x2], $0x8, s14, s13, $0xb8;
	[tilespmem:$0x1FA8] =	vst v63  }
0xbe: {  	_ =	swait.ge [sflag:s15], $0x3E8  }
0xbf: {  	[sflag:s15] =	ssyncset.done $0x0  }
0xc0: {  	[sflag:s15] =	ssyncadd.s32 $0xFFFFFC18  }
0xc1: {  	_ =	swait.ge [sflag:s16], $0x3E8  }
0xc2: {  	[sflag:s16] =	ssyncset.done $0x0  }
0xc3: {  	[sflag:s16] =	ssyncadd.s32 $0xFFFFFC18  }
0xc4: {  	[spmem:s2] =	stream.indirect.scatter.add.f32 [tilespmem:s12], [sflag:$0x1], $0x8, s17, s13, $0xb8;
	[tilespmem:$0x1FA8] =	vst v63  }
0xc5: {  	_ = 	snop  }
0xc6: {  	[spmem:s2] =	stream.indirect.scatter.add.f32 [tilespmem:s12], [sflag:$0x2], $0x8, s18, s13, $0xb8;
	[tilespmem:$0x1FA8] =	vst v63  }
0xc7: {  	_ =	swait.ge [sflag:s15], $0x3E8  }
0xc8: {  	[sflag:s15] =	ssyncset.done $0x0  }
0xc9: {  	[sflag:s15] =	ssyncadd.s32 $0xFFFFFC18  }
0xca: {  	_ =	swait.ge [sflag:s16], $0x3E8  }
0xcb: {  	[sflag:s16] =	ssyncset.done $0x0  }
0xcc: {  	[sflag:s16] =	ssyncadd.s32 $0xFFFFFC18  }
0xcd: {  	[spmem:s2] =	stream.indirect.scatter.add.f32 [tilespmem:s12], [sflag:$0x1], $0x8, s19, s13, $0xb8;
	[tilespmem:$0x1FA8] =	vst v63  }
0xce: {  	_ = 	snop  }
0xcf: {  	[spmem:s2] =	stream.indirect.scatter.add.f32 [tilespmem:s12], [sflag:$0x2], $0x8, s20, s13, $0xb8;
	[tilespmem:$0x1FA8] =	vst v63  }
0xd0: {  	_ =	swait.ge [sflag:s15], $0x3E8  }
0xd1: {  	[sflag:s15] =	ssyncset.done $0x0  }
0xd2: {  	[sflag:s15] =	ssyncadd.s32 $0xFFFFFC18  }
0xd3: {  	_ =	swait.ge [sflag:s16], $0x3E8  }
0xd4: {  	[sflag:s16] =	ssyncset.done $0x0  }
0xd5: {  	[sflag:s16] =	ssyncadd.s32 $0xFFFFFC18  }
0xd6: {  	[spmem:s2] =	stream.indirect.scatter.add.f32 [tilespmem:s12], [sflag:$0x1], $0x8, s21, s13, $0xb8;
	[tilespmem:$0x1FA8] =	vst v63  }
0xd7: {  	_ = 	snop  }
0xd8: {  	[spmem:s2] =	stream.indirect.scatter.add.f32 [tilespmem:s12], [sflag:$0x2], $0x8, s22, s13, $0xb8;
	[tilespmem:$0x1FA8] =	vst v63  }
0xd9: {  	_ =	swait.ge [sflag:s15], $0x3E8  }
0xda: {  	[sflag:s15] =	ssyncset.done $0x0  }
0xdb: {  	[sflag:s15] =	ssyncadd.s32 $0xFFFFFC18  }
0xdc: {  	_ =	swait.ge [sflag:s16], $0x3E8  }
0xdd: {  	[sflag:s16] =	ssyncset.done $0x0  }
0xde: {  	[sflag:s16] =	ssyncadd.s32 $0xFFFFFC18  }
0xdf: {  	[spmem:s2] =	stream.indirect.scatter.add.f32 [tilespmem:s12], [sflag:$0x1], $0x8, s23, s13, $0xb8;
	[tilespmem:$0x1FA8] =	vst v63  }
0xe0: {  	_ = 	snop  }
0xe1: {  	[spmem:s2] =	stream.indirect.scatter.add.f32 [tilespmem:s12], [sflag:$0x2], $0x8, s24, s13, $0xb8;
	[tilespmem:$0x1FA8] =	vst v63  }
0xe2: {  	_ =	swait.ge [sflag:s15], $0x3E8  }
0xe3: {  	[sflag:s15] =	ssyncset.done $0x0  }
0xe4: {  	[sflag:s15] =	ssyncadd.s32 $0xFFFFFC18  }
0xe5: {  	_ =	swait.ge [sflag:s16], $0x3E8  }
0xe6: {  	[sflag:s16] =	ssyncset.done $0x0  }
0xe7: {  	[sflag:s16] =	ssyncadd.s32 $0xFFFFFC18  }
0xe8: {  	[spmem:s2] =	stream.indirect.scatter.add.f32 [tilespmem:s12], [sflag:$0x1], $0x8, s25, s13, $0xb8;
	[tilespmem:$0x1FA8] =	vst v63  }
0xe9: {  	_ = 	snop  }
0xea: {  	[spmem:s2] =	stream.indirect.scatter.add.f32 [tilespmem:s12], [sflag:$0x2], $0x8, s26, s13, $0xb8;
	[tilespmem:$0x1FA8] =	vst v63  }
0xeb: {  	_ =	swait.ge [sflag:s15], $0x3E8  }
0xec: {  	[sflag:s15] =	ssyncset.done $0x0  }
0xed: {  	[sflag:s15] =	ssyncadd.s32 $0xFFFFFC18  }
0xee: {  	_ =	swait.ge [sflag:s16], $0x3E8  }
0xef: {  	[sflag:s16] =	ssyncset.done $0x0  }
0xf0: {  	[sflag:s16] =	ssyncadd.s32 $0xFFFFFC18  }
0xf1: {  	[spmem:s2] =	stream.indirect.scatter.add.f32 [tilespmem:s12], [sflag:$0x1], $0x8, s28, s13, $0xb8;
	[tilespmem:$0x1FA8] =	vst v63  }
0xf2: {  	_ = 	snop  }
0xf3: {  	[spmem:s2] =	stream.indirect.scatter.add.f32 [tilespmem:s12], [sflag:$0x2], $0x8, s29, s13, $0xb8;
	[tilespmem:$0x1FA8] =	vst v63  }
0xf4: {  	_ =	swait.ge [sflag:s15], $0x3E8  }
0xf5: {  	[sflag:s15] =	ssyncset.done $0x0  }
0xf6: {  	[sflag:s15] =	ssyncadd.s32 $0xFFFFFC18  }
0xf7: {  	_ =	swait.ge [sflag:s16], $0x3E8  }
0xf8: {  	[sflag:s16] =	ssyncset.done $0x0  }
0xf9: {  	[sflag:s16] =	ssyncadd.s32 $0xFFFFFC18  }
0xfa: {  	[spmem:s2] =	stream.indirect.scatter.add.f32 [tilespmem:s12], [sflag:$0x1], $0x8, s30, s13, $0xb8;
	[tilespmem:$0x1FA8] =	vst v63  }
0xfb: {  	_ = 	snop  }
0xfc: {  	[spmem:s2] =	stream.indirect.scatter.add.f32 [tilespmem:s12], [sflag:$0x2], $0x8, s31, s13, $0xb8;
	[tilespmem:$0x1FA8] =	vst v63  }
0xfd: {  	_ =	swait.ge [sflag:s15], $0x3E8  }
0xfe: {  	[sflag:s15] =	ssyncset.done $0x0  }
0xff: {  	[sflag:s15] =	ssyncadd.s32 $0xFFFFFC18  }
0x100: {  	_ =	swait.ge [sflag:s16], $0x3E8  }
0x101: {  	[sflag:s16] =	ssyncset.done $0x0  }
0x102: {  	s1 =	sadd.s32 $0x1, s1;
	[sflag:s16] =	ssyncadd.s32 $0xFFFFFC18  }
0x103: {  	p0 =	sne.s32 s1, s8;
	[bflag:$0x0] =	sbarrier.arrive $0xFFFF  }
.Ltmp1:
0x104: {  	s7 =	rddreg [dreg:$0x6];
	(pc) =	sbr.rel @p0 .LBB2_1-.Ltmp1, $4  }
0x105: {  	[hbm:s7], [sflag:s6] =	dma.local [spmem:s10], $0x278  }
0x106: {  	_ =	swait.ge [sflag:s11], $0x278  }
0x107: {  	[sflag:s11] =	ssyncset.done $0x0  }
0x108: {  	[sflag:s11] =	ssyncadd.s32 $0xFFFFFD88  }
0x109: {  	_ =	sfence.sel $0x180000  }
0x10a: {  	[bflag:$0x0] =	sbarrier.arrive $0xFFFF  }
0x10b: {  	_ =	strace $0x90000047  }
0x10c: {  	s0 =	stileid.u32;
	[bflag:$0x2] =	sbarrier.arrive $0xFFFF  }
0x10d: {  	p0 =	sne.s32 s0, $0x0;
	s0 =	rddreg [dreg:$0x3]  }
0x10e: {  	s0 =	sadd.s32 @!p0 $0x100000, s0  }
0x10f: {  	[sflag:s0] =	ssyncadd.tile.s32 @!p0 $0x1;
	_ =	shalt  }
.Lfunc_end2:
_tile_overlayer_lowered:
.L_overlay_start_2:
0x110: {  	(tag) =	ssettag $0x2  }
0x111: {  	s0 =	rddreg [dreg:$0x0];
	s2 =	stileid.u32  }
0x112: {  	s1 =	rddreg [dreg:$0x1];
	p0 =	sne.s32 s2, $0x0  }
0x113: {  	s3 =	rddreg [dreg:$0x2];
	[bflag:$0x3] =	sbarrier.arrive $0xFFFF;
	s2 =	simm.s32 @!p0 $0x1C03  }
0x114: {  	[timem:s3], [sflag:s2] =	dma.local @!p0 [hbm:s0], s1  }
0x115: {  	s0 =	simm.s32 @!p0 $0x3  }
0x116: {  	_ =	swait.ge @!p0 [sflag:s0], s1  }
0x117: {  	s1 =	ssub.s32 @!p0 $0x0, s1;
	[sflag:s0] =	ssyncset.done @!p0 $0x0  }
0x118: {  	[sflag:s0] =	ssyncadd.s32 @!p0 s1  }
0x119: {  	[bflag:$0x3] =	sbarrier.arrive $0xFFFF  }
0x11a: {  	_ =	shalt  }

</sc_bundles>
